<compile_context>
chip_gen: v7x
topology: tpu7x:2x2x1
jax: 0.10.2.dev20260603
libtpu: 0.0.44.dev20260713+nightly
codegen_flags: <defaults>
</compile_context>

<pallas_src>
import functools

import jax
import jax.numpy as jnp
from jax import lax
from jax.experimental import pallas as pl
from jax.experimental.pallas import tpu as pltpu
from jax.experimental.pallas import tpu_sc as plsc

N_WORKERS = 32
CHUNK = 80


def _make_sc_aggregate(n, d, e, with_cnt):
    epw = e // N_WORKERS
    steps = epw // CHUNK
    assert epw % CHUNK == 0, (e, epw)
    rpt = n // 16
    assert n % 16 == 0

    mesh = plsc.VectorSubcoreMesh(core_axis_name="c", subcore_axis_name="s")

    out_type = [jax.ShapeDtypeStruct((2, n, d), jnp.float32)]
    if with_cnt:
        out_type.append(jax.ShapeDtypeStruct((2, n), jnp.float32))

    scratch = [
        pltpu.VMEM((CHUNK,), jnp.int32),
        pltpu.VMEM((CHUNK,), jnp.int32),
        pltpu.VMEM((CHUNK, d), jnp.float32),
        pltpu.VMEM_SHARED((n, d), jnp.float32),
        pltpu.SemaphoreType.DMA,
    ]
    if with_cnt:
        scratch += [
            pltpu.VMEM((CHUNK,), jnp.float32),
            pltpu.VMEM_SHARED((n,), jnp.float32),
        ]

    def body(x_hbm, src_hbm, dst_hbm, z2_hbm, z1_hbm, ones_hbm,
             agg_out, *rest):
        if with_cnt:
            cnt_out, srcb, dstb, rowsb, aggs, sem, onesb, cnts = rest
        else:
            srcb, dstb, rowsb, aggs, sem = rest
        c = lax.axis_index("c")
        s = lax.axis_index("s")
        wid = c * 16 + s

        r0 = pl.multiple_of(s * rpt, 8)
        pltpu.sync_copy(z2_hbm.at[pl.ds(r0, rpt)], aggs.at[pl.ds(r0, rpt)])
        if with_cnt:
            @pl.when(s == 0)
            def _():
                pltpu.sync_copy(z1_hbm, cnts)
            pltpu.sync_copy(ones_hbm, onesb)
        plsc.subcore_barrier()

        def step(i, carry):
            base = pl.multiple_of(wid * epw + i * CHUNK, 8)
            pltpu.sync_copy(src_hbm.at[pl.ds(base, CHUNK)], srcb)
            pltpu.sync_copy(dst_hbm.at[pl.ds(base, CHUNK)], dstb)
            pltpu.async_copy(x_hbm.at[srcb], rowsb, sem).wait()
            pltpu.sync_copy(rowsb, aggs.at[dstb], add=True)
            if with_cnt:
                pltpu.sync_copy(onesb, cnts.at[dstb], add=True)
            return carry

        lax.fori_loop(0, steps, step, 0)
        plsc.subcore_barrier()

        pltpu.sync_copy(aggs.at[pl.ds(r0, rpt)], agg_out.at[c, pl.ds(r0, rpt)])
        if with_cnt:
            @pl.when(s == 0)
            def _():
                pltpu.sync_copy(cnts, cnt_out.at[c])

    return pl.kernel(body, out_type=out_type, mesh=mesh,
                     scratch_types=scratch,
                     compiler_params=pltpu.CompilerParams(
                         use_tc_tiling_on_sc=False))


def _make_tc_layer(n, d, relu, block_rows=2000):
    assert n % block_rows == 0

    def body(aa, ab, ca, cb, xr, wl, bl, wr, o):
        cnt = jnp.maximum(ca[...] + cb[...], 1.0)
        mean = (aa[...] + ab[...]) / cnt
        acc = lax.dot_general(mean, wl[...], (((1,), (1,)), ((), ())),
                              preferred_element_type=jnp.float32)
        acc = acc + lax.dot_general(xr[...], wr[...], (((1,), (1,)), ((), ())),
                                    preferred_element_type=jnp.float32)
        acc = acc + bl[...]
        o[...] = jnp.maximum(acc, 0.0) if relu else acc

    rows = pl.BlockSpec((block_rows, d), lambda i: (i, 0))
    return pl.pallas_call(
        body,
        grid=(n // block_rows,),
        in_specs=[
            rows, rows,
            pl.BlockSpec((block_rows, 1), lambda i: (i, 0)),
            pl.BlockSpec((block_rows, 1), lambda i: (i, 0)),
            rows,
            pl.BlockSpec((d, d), lambda i: (0, 0)),
            pl.BlockSpec((1, d), lambda i: (0, 0)),
            pl.BlockSpec((d, d), lambda i: (0, 0)),
        ],
        out_specs=rows,
        out_shape=jax.ShapeDtypeStruct((n, d), jnp.float32),
    )


def kernel(x, edge_index, W1l, b1l, W1r, W2l, b2l, W2r):
    n, d = x.shape
    e = edge_index.shape[1]
    ei = edge_index.astype(jnp.int32)
    src, dst = ei[0], ei[1]

    z2 = jnp.zeros((n, d), jnp.float32)
    z1 = jnp.zeros((n,), jnp.float32)
    ones = jnp.ones((CHUNK,), jnp.float32)

    agg_cnt = _make_sc_aggregate(n, d, e, with_cnt=True)
    agg_only = _make_sc_aggregate(n, d, e, with_cnt=False)
    layer1 = _make_tc_layer(n, d, relu=True)
    layer2 = _make_tc_layer(n, d, relu=False)

    aggp, cntp = agg_cnt(x, src, dst, z2, z1, ones)
    ca = cntp[0].reshape(n, 1)
    cb = cntp[1].reshape(n, 1)
    b1 = b1l.reshape(1, d)
    b2 = b2l.reshape(1, d)

    h = layer1(aggp[0], aggp[1], ca, cb, x, W1l, b1, W1r)
    (aggp2,) = agg_only(h, src, dst, z2, z1, ones)
    out = layer2(aggp2[0], aggp2[1], ca, cb, h, W2l, b2, W2r)
    return out

# --- scband reference (transcript-rebuilt; emitter-appended) ---
"""Pipeline reference for scband-gnn-12103217840680 (READ-ONLY COPY).

The authoritative reference and input builder live on the scoring server;
editing this copy changes nothing except your own understanding.
"""

import jax, jax.numpy as jnp
import numpy as np

N_NODES = 10000
N_EDGES = 320000
D = 128


def setup_inputs(seed: int = 0) -> dict:
    key = jax.random.key(seed)
    ks = jax.random.split(key, 9)
    x = jax.random.normal(ks[0], (N_NODES, D), dtype=jnp.float32)
    edge_index = jax.random.randint(ks[1], (2, N_EDGES), 0, N_NODES, dtype=jnp.int64)
    s = 0.05
    W1l = jax.random.normal(ks[2], (D, D), dtype=jnp.float32) * s
    b1l = jax.random.normal(ks[3], (D,), dtype=jnp.float32) * s
    W1r = jax.random.normal(ks[4], (D, D), dtype=jnp.float32) * s
    W2l = jax.random.normal(ks[5], (D, D), dtype=jnp.float32) * s
    b2l = jax.random.normal(ks[6], (D,), dtype=jnp.float32) * s
    W2r = jax.random.normal(ks[7], (D, D), dtype=jnp.float32) * s
    return {"x": x, "edge_index": edge_index, "W1l": W1l, "b1l": b1l, "W1r": W1r,
            "W2l": W2l, "b2l": b2l, "W2r": W2r}


def _sage_conv(x, edge_index, Wl, bl, Wr):
    # PyG SAGEConv (mean aggr): out = lin_l(mean_{j in N(i)} x_j) + lin_r(x_i)
    src = edge_index[0]
    dst = edge_index[1]
    n = x.shape[0]
    msgs = jnp.take(x, src, axis=0)                       # gather
    agg = jax.ops.segment_sum(msgs, dst, num_segments=n)  # scatter-add
    cnt = jax.ops.segment_sum(jnp.ones((msgs.shape[0],), dtype=x.dtype), dst, num_segments=n)
    mean = agg / jnp.clip(cnt, 1.0)[:, None]
    return mean @ Wl.T + bl + x @ Wr.T


def reference(x, edge_index, W1l, b1l, W1r, W2l, b2l, W2r):
    h = jax.nn.relu(_sage_conv(x, edge_index, W1l, b1l, W1r))
    # dropout p=0.5 is identity in eval mode (training=False)
    out = _sage_conv(h, edge_index, W2l, b2l, W2r)
    return out

if __name__ == "__main__":
    import jax
    _d = setup_inputs()
    print(jax.jit(kernel)(*tuple(_d.values())))

</pallas_src>

<mosaic_0001>
#map = affine_map<(d0, d1) -> (0, 0)>
#map1 = affine_map<(d0, d1) -> (0)>
#map2 = affine_map<(d0, d1) -> (0, 0, 0)>
module attributes {stable_mosaic.version = 14 : i64} {
  func.func @body(%arg0: i32, %arg1: i32, %arg2: memref<10000x128xf32, #tpu.memory_space<hbm>>, %arg3: memref<320000xi32, #tpu.memory_space<hbm>>, %arg4: memref<320000xi32, #tpu.memory_space<hbm>>, %arg5: memref<10000x128xf32, #tpu.memory_space<hbm>>, %arg6: memref<10000xf32, #tpu.memory_space<hbm>>, %arg7: memref<80xf32, #tpu.memory_space<hbm>>, %arg8: memref<2x10000x128xf32, #tpu.memory_space<hbm>>, %arg9: memref<2x10000xf32, #tpu.memory_space<hbm>>, %arg10: memref<80xi32, #tpu.memory_space<vmem>>, %arg11: memref<80xi32, #tpu.memory_space<vmem>>, %arg12: memref<80x128xf32, #tpu.memory_space<vmem>>, %arg13: memref<10000x128xf32, #tpu.memory_space<vmem_shared>>, %arg14: memref<!tpu.dma_semaphore, #tpu.memory_space<semaphore_mem>>, %arg15: memref<80xf32, #tpu.memory_space<vmem>>, %arg16: memref<10000xf32, #tpu.memory_space<vmem_shared>>) attributes {dimension_semantics = [#tpu.dimension_semantics<core_parallel>, #tpu.dimension_semantics<subcore_parallel>], iteration_bounds = array<i64: 2, 16>, scalar_prefetch = 0 : i64, scratch_operands = 7 : i64, tpu.core_type = #tpu.core_type<sc_vector_subcore>, window_params = [{transform_indices = #map}, {transform_indices = #map1}, {transform_indices = #map1}, {transform_indices = #map}, {transform_indices = #map1}, {transform_indices = #map1}, {transform_indices = #map2}, {transform_indices = #map}]} {
    %mul3A = arith.constant 16 : i32
    %mul3A_0 = arith.muli %arg0, %mul3A : i32
    %add3A = arith.addi %mul3A_0, %arg1 : i32
    %mul3A_1 = arith.constant 625 : i32
    %mul3A_2 = arith.muli %arg1, %mul3A_1 : i32
    %multiple_of3A = tpu.assume_multiple %mul3A_2, 8 : i32
    "tpu.region"() ({
      %run_scoped3A = tpu.sem_alloc : memref<!tpu.dma_semaphore, #tpu.memory_space<semaphore_mem>>
      %dma_start3A = arith.constant 0 : i32
      %dma_start3A_16 = tpu.memref_slice %arg13[%multiple_of3A, %dma_start3A] : memref<10000x128xf32, #tpu.memory_space<vmem_shared>> -> memref<625x128xf32, #tpu.memory_space<vmem_shared>>
      %dma_start3A_17 = arith.constant 0 : i32
      %dma_start3A_18 = tpu.memref_slice %arg5[%multiple_of3A, %dma_start3A_17] : memref<10000x128xf32, #tpu.memory_space<hbm>> -> memref<625x128xf32, #tpu.memory_space<hbm>>
      tpu.enqueue_dma source(%dma_start3A_18 : memref<625x128xf32, #tpu.memory_space<hbm>>) target(%dma_start3A_16 : memref<625x128xf32, #tpu.memory_space<vmem_shared>>) target_semaphore(%run_scoped3A : memref<!tpu.dma_semaphore, #tpu.memory_space<semaphore_mem>>)
      %dma_wait3A = arith.constant 0 : i32
      %dma_wait3A_19 = tpu.memref_slice %arg13[%multiple_of3A, %dma_wait3A] : memref<10000x128xf32, #tpu.memory_space<vmem_shared>> -> memref<625x128xf32, #tpu.memory_space<vmem_shared>>
      %dma_wait3A_20 = arith.constant 0 : i32
      %dma_wait3A_21 = tpu.memref_slice %arg5[%multiple_of3A, %dma_wait3A_20] : memref<10000x128xf32, #tpu.memory_space<hbm>> -> memref<625x128xf32, #tpu.memory_space<hbm>>
      tpu.wait_dma2 semaphore(%run_scoped3A : memref<!tpu.dma_semaphore, #tpu.memory_space<semaphore_mem>>) src(%dma_wait3A_21 : memref<625x128xf32, #tpu.memory_space<hbm>>) dst(%dma_wait3A_19 : memref<625x128xf32, #tpu.memory_space<vmem_shared>>)
      tpu.yield
    }) : () -> ()
    %eq3A = arith.constant 0 : i32
    %eq3A_3 = arith.cmpi eq, %arg1, %eq3A : i32
    %convert_element_type3A = arith.extui %eq3A_3 : i1 to i32
    %cond3A = arith.constant 0 : i32
    %cond3A_4 = arith.cmpi ne, %convert_element_type3A, %cond3A : i32
    scf.if %cond3A_4 {
      "tpu.region"() ({
        %run_scoped3A = tpu.sem_alloc : memref<!tpu.dma_semaphore, #tpu.memory_space<semaphore_mem>>
        tpu.enqueue_dma source(%arg6 : memref<10000xf32, #tpu.memory_space<hbm>>) target(%arg16 : memref<10000xf32, #tpu.memory_space<vmem_shared>>) target_semaphore(%run_scoped3A : memref<!tpu.dma_semaphore, #tpu.memory_space<semaphore_mem>>)
        tpu.wait_dma2 semaphore(%run_scoped3A : memref<!tpu.dma_semaphore, #tpu.memory_space<semaphore_mem>>) src(%arg6 : memref<10000xf32, #tpu.memory_space<hbm>>) dst(%arg16 : memref<10000xf32, #tpu.memory_space<vmem_shared>>)
        tpu.yield
      }) : () -> ()
    } else {
    }
    "tpu.region"() ({
      %run_scoped3A = tpu.sem_alloc : memref<!tpu.dma_semaphore, #tpu.memory_space<semaphore_mem>>
      tpu.enqueue_dma source(%arg7 : memref<80xf32, #tpu.memory_space<hbm>>) target(%arg15 : memref<80xf32, #tpu.memory_space<vmem>>) target_semaphore(%run_scoped3A : memref<!tpu.dma_semaphore, #tpu.memory_space<semaphore_mem>>)
      tpu.wait_dma2 semaphore(%run_scoped3A : memref<!tpu.dma_semaphore, #tpu.memory_space<semaphore_mem>>) src(%arg7 : memref<80xf32, #tpu.memory_space<hbm>>) dst(%arg15 : memref<80xf32, #tpu.memory_space<vmem>>)
      tpu.yield
    }) : () -> ()
    %barrier3A = arith.constant 0 : index
    tpu.barrier barrier_id(%barrier3A)
    %scan3A = arith.constant 0 : i32
    %scan3A_5 = arith.constant 0 : i32
    %scan3A_6 = arith.constant 125 : i32
    %scan3A_7 = arith.addi %scan3A_5, %scan3A_6 : i32
    %scan3A_8 = arith.constant 1 : i32
    scf.for %scan3A_16 = %scan3A_5 to %scan3A_7 step %scan3A_8  : i32 {
      %mul3A_17 = arith.constant 10000 : i32
      %mul3A_18 = arith.muli %add3A, %mul3A_17 : i32
      %mul3A_19 = arith.constant 80 : i32
      %mul3A_20 = arith.muli %scan3A_16, %mul3A_19 : i32
      %add3A_21 = arith.addi %mul3A_18, %mul3A_20 : i32
      %multiple_of3A_22 = tpu.assume_multiple %add3A_21, 8 : i32
      "tpu.region"() ({
        %run_scoped3A = tpu.sem_alloc : memref<!tpu.dma_semaphore, #tpu.memory_space<semaphore_mem>>
        %dma_start3A_27 = tpu.memref_slice %arg3[%multiple_of3A_22] : memref<320000xi32, #tpu.memory_space<hbm>> -> memref<80xi32, #tpu.memory_space<hbm>>
        %dma_start3A_28 = tpu.memref_slice %arg3[%multiple_of3A_22] : memref<320000xi32, #tpu.memory_space<hbm>> -> memref<80xi32, #tpu.memory_space<hbm>>
        tpu.enqueue_dma source(%dma_start3A_28 : memref<80xi32, #tpu.memory_space<hbm>>) target(%arg10 : memref<80xi32, #tpu.memory_space<vmem>>) target_semaphore(%run_scoped3A : memref<!tpu.dma_semaphore, #tpu.memory_space<semaphore_mem>>)
        %dma_wait3A_29 = tpu.memref_slice %arg3[%multiple_of3A_22] : memref<320000xi32, #tpu.memory_space<hbm>> -> memref<80xi32, #tpu.memory_space<hbm>>
        %dma_wait3A_30 = tpu.memref_slice %arg3[%multiple_of3A_22] : memref<320000xi32, #tpu.memory_space<hbm>> -> memref<80xi32, #tpu.memory_space<hbm>>
        tpu.wait_dma2 semaphore(%run_scoped3A : memref<!tpu.dma_semaphore, #tpu.memory_space<semaphore_mem>>) src(%dma_wait3A_30 : memref<80xi32, #tpu.memory_space<hbm>>) dst(%arg10 : memref<80xi32, #tpu.memory_space<vmem>>)
        tpu.yield
      }) : () -> ()
      "tpu.region"() ({
        %run_scoped3A = tpu.sem_alloc : memref<!tpu.dma_semaphore, #tpu.memory_space<semaphore_mem>>
        %dma_start3A_27 = tpu.memref_slice %arg4[%multiple_of3A_22] : memref<320000xi32, #tpu.memory_space<hbm>> -> memref<80xi32, #tpu.memory_space<hbm>>
        %dma_start3A_28 = tpu.memref_slice %arg4[%multiple_of3A_22] : memref<320000xi32, #tpu.memory_space<hbm>> -> memref<80xi32, #tpu.memory_space<hbm>>
        tpu.enqueue_dma source(%dma_start3A_28 : memref<80xi32, #tpu.memory_space<hbm>>) target(%arg11 : memref<80xi32, #tpu.memory_space<vmem>>) target_semaphore(%run_scoped3A : memref<!tpu.dma_semaphore, #tpu.memory_space<semaphore_mem>>)
        %dma_wait3A_29 = tpu.memref_slice %arg4[%multiple_of3A_22] : memref<320000xi32, #tpu.memory_space<hbm>> -> memref<80xi32, #tpu.memory_space<hbm>>
        %dma_wait3A_30 = tpu.memref_slice %arg4[%multiple_of3A_22] : memref<320000xi32, #tpu.memory_space<hbm>> -> memref<80xi32, #tpu.memory_space<hbm>>
        tpu.wait_dma2 semaphore(%run_scoped3A : memref<!tpu.dma_semaphore, #tpu.memory_space<semaphore_mem>>) src(%dma_wait3A_30 : memref<80xi32, #tpu.memory_space<hbm>>) dst(%arg11 : memref<80xi32, #tpu.memory_space<vmem>>)
        tpu.yield
      }) : () -> ()
      %dma_start3A = arith.constant 0 : i32
      %dma_start3A_23 = arith.constant 0 : i32
      %dma_start3A_24 = tpu.memref_slice %arg2[%dma_start3A, %dma_start3A_23] : memref<10000x128xf32, #tpu.memory_space<hbm>> -> memref<10000x128xf32, #tpu.memory_space<hbm>>
      tpu.enqueue_indirect_dma source(%dma_start3A_24 : memref<10000x128xf32, #tpu.memory_space<hbm>>) target(%arg12 : memref<80x128xf32, #tpu.memory_space<vmem>>) offsets(%arg10 : memref<80xi32, #tpu.memory_space<vmem>>) semaphore(%arg14 : memref<!tpu.dma_semaphore, #tpu.memory_space<semaphore_mem>>)
      %dma_wait3A = arith.constant 0 : i32
      %dma_wait3A_25 = arith.constant 0 : i32
      %dma_wait3A_26 = tpu.memref_slice %arg2[%dma_wait3A, %dma_wait3A_25] : memref<10000x128xf32, #tpu.memory_space<hbm>> -> memref<10000x128xf32, #tpu.memory_space<hbm>>
      tpu.wait_indirect_dma semaphore(%arg14 : memref<!tpu.dma_semaphore, #tpu.memory_space<semaphore_mem>>) src(%dma_wait3A_26 : memref<10000x128xf32, #tpu.memory_space<hbm>>) dst(%arg12 : memref<80x128xf32, #tpu.memory_space<vmem>>)
      "tpu.region"() ({
        %run_scoped3A = tpu.sem_alloc : memref<!tpu.dma_semaphore, #tpu.memory_space<semaphore_mem>>
        %dma_start3A_27 = arith.constant 0 : i32
        %dma_start3A_28 = arith.constant 0 : i32
        %dma_start3A_29 = tpu.memref_slice %arg13[%dma_start3A_27, %dma_start3A_28] : memref<10000x128xf32, #tpu.memory_space<vmem_shared>> -> memref<10000x128xf32, #tpu.memory_space<vmem_shared>>
        tpu.enqueue_indirect_dma source(%arg12 : memref<80x128xf32, #tpu.memory_space<vmem>>) target(%dma_start3A_29 : memref<10000x128xf32, #tpu.memory_space<vmem_shared>>) offsets(%arg11 : memref<80xi32, #tpu.memory_space<vmem>>) semaphore(%run_scoped3A : memref<!tpu.dma_semaphore, #tpu.memory_space<semaphore_mem>>) {add = true}
        %dma_wait3A_30 = arith.constant 0 : i32
        %dma_wait3A_31 = arith.constant 0 : i32
        %dma_wait3A_32 = tpu.memref_slice %arg13[%dma_wait3A_30, %dma_wait3A_31] : memref<10000x128xf32, #tpu.memory_space<vmem_shared>> -> memref<10000x128xf32, #tpu.memory_space<vmem_shared>>
        tpu.wait_indirect_dma semaphore(%run_scoped3A : memref<!tpu.dma_semaphore, #tpu.memory_space<semaphore_mem>>) src(%arg12 : memref<80x128xf32, #tpu.memory_space<vmem>>) dst(%dma_wait3A_32 : memref<10000x128xf32, #tpu.memory_space<vmem_shared>>)
        tpu.yield
      }) : () -> ()
      "tpu.region"() ({
        %run_scoped3A = tpu.sem_alloc : memref<!tpu.dma_semaphore, #tpu.memory_space<semaphore_mem>>
        %dma_start3A_27 = arith.constant 0 : i32
        %dma_start3A_28 = tpu.memref_slice %arg16[%dma_start3A_27] : memref<10000xf32, #tpu.memory_space<vmem_shared>> -> memref<10000xf32, #tpu.memory_space<vmem_shared>>
        tpu.enqueue_indirect_dma source(%arg15 : memref<80xf32, #tpu.memory_space<vmem>>) target(%dma_start3A_28 : memref<10000xf32, #tpu.memory_space<vmem_shared>>) offsets(%arg11 : memref<80xi32, #tpu.memory_space<vmem>>) semaphore(%run_scoped3A : memref<!tpu.dma_semaphore, #tpu.memory_space<semaphore_mem>>) {add = true}
        %dma_wait3A_29 = arith.constant 0 : i32
        %dma_wait3A_30 = tpu.memref_slice %arg16[%dma_wait3A_29] : memref<10000xf32, #tpu.memory_space<vmem_shared>> -> memref<10000xf32, #tpu.memory_space<vmem_shared>>
        tpu.wait_indirect_dma semaphore(%run_scoped3A : memref<!tpu.dma_semaphore, #tpu.memory_space<semaphore_mem>>) src(%arg15 : memref<80xf32, #tpu.memory_space<vmem>>) dst(%dma_wait3A_30 : memref<10000xf32, #tpu.memory_space<vmem_shared>>)
        tpu.yield
      }) : () -> ()
    }
    %scan3A_9 = arith.constant 125 : i32
    %barrier3A_10 = arith.constant 0 : index
    tpu.barrier barrier_id(%barrier3A_10)
    "tpu.region"() ({
      %run_scoped3A = tpu.sem_alloc : memref<!tpu.dma_semaphore, #tpu.memory_space<semaphore_mem>>
      %dma_start3A = arith.constant 0 : i32
      %dma_start3A_16 = tpu.memref_slice %arg8[%arg0, %multiple_of3A, %dma_start3A] : memref<2x10000x128xf32, #tpu.memory_space<hbm>> -> memref<1x625x128xf32, #tpu.memory_space<hbm>>
      %dma_start3A_17 = tpu.memref_squeeze %dma_start3A_16 : memref<1x625x128xf32, #tpu.memory_space<hbm>> -> memref<625x128xf32, #tpu.memory_space<hbm>>
      %dma_start3A_18 = arith.constant 0 : i32
      %dma_start3A_19 = tpu.memref_slice %arg13[%multiple_of3A, %dma_start3A_18] : memref<10000x128xf32, #tpu.memory_space<vmem_shared>> -> memref<625x128xf32, #tpu.memory_space<vmem_shared>>
      tpu.enqueue_dma source(%dma_start3A_19 : memref<625x128xf32, #tpu.memory_space<vmem_shared>>) target(%dma_start3A_17 : memref<625x128xf32, #tpu.memory_space<hbm>>) target_semaphore(%run_scoped3A : memref<!tpu.dma_semaphore, #tpu.memory_space<semaphore_mem>>)
      %dma_wait3A = arith.constant 0 : i32
      %dma_wait3A_20 = tpu.memref_slice %arg8[%arg0, %multiple_of3A, %dma_wait3A] : memref<2x10000x128xf32, #tpu.memory_space<hbm>> -> memref<1x625x128xf32, #tpu.memory_space<hbm>>
      %dma_wait3A_21 = tpu.memref_squeeze %dma_wait3A_20 : memref<1x625x128xf32, #tpu.memory_space<hbm>> -> memref<625x128xf32, #tpu.memory_space<hbm>>
      %dma_wait3A_22 = arith.constant 0 : i32
      %dma_wait3A_23 = tpu.memref_slice %arg13[%multiple_of3A, %dma_wait3A_22] : memref<10000x128xf32, #tpu.memory_space<vmem_shared>> -> memref<625x128xf32, #tpu.memory_space<vmem_shared>>
      tpu.wait_dma2 semaphore(%run_scoped3A : memref<!tpu.dma_semaphore, #tpu.memory_space<semaphore_mem>>) src(%dma_wait3A_23 : memref<625x128xf32, #tpu.memory_space<vmem_shared>>) dst(%dma_wait3A_21 : memref<625x128xf32, #tpu.memory_space<hbm>>)
      tpu.yield
    }) : () -> ()
    %eq3A_11 = arith.constant 0 : i32
    %eq3A_12 = arith.cmpi eq, %arg1, %eq3A_11 : i32
    %convert_element_type3A_13 = arith.extui %eq3A_12 : i1 to i32
    %cond3A_14 = arith.constant 0 : i32
    %cond3A_15 = arith.cmpi ne, %convert_element_type3A_13, %cond3A_14 : i32
    scf.if %cond3A_15 {
      "tpu.region"() ({
        %run_scoped3A = tpu.sem_alloc : memref<!tpu.dma_semaphore, #tpu.memory_space<semaphore_mem>>
        %dma_start3A = arith.constant 0 : i32
        %dma_start3A_16 = tpu.memref_slice %arg9[%arg0, %dma_start3A] : memref<2x10000xf32, #tpu.memory_space<hbm>> -> memref<1x10000xf32, #tpu.memory_space<hbm>>
        %dma_start3A_17 = tpu.memref_squeeze %dma_start3A_16 : memref<1x10000xf32, #tpu.memory_space<hbm>> -> memref<10000xf32, #tpu.memory_space<hbm>>
        tpu.enqueue_dma source(%arg16 : memref<10000xf32, #tpu.memory_space<vmem_shared>>) target(%dma_start3A_17 : memref<10000xf32, #tpu.memory_space<hbm>>) target_semaphore(%run_scoped3A : memref<!tpu.dma_semaphore, #tpu.memory_space<semaphore_mem>>)
        %dma_wait3A = arith.constant 0 : i32
        %dma_wait3A_18 = tpu.memref_slice %arg9[%arg0, %dma_wait3A] : memref<2x10000xf32, #tpu.memory_space<hbm>> -> memref<1x10000xf32, #tpu.memory_space<hbm>>
        %dma_wait3A_19 = tpu.memref_squeeze %dma_wait3A_18 : memref<1x10000xf32, #tpu.memory_space<hbm>> -> memref<10000xf32, #tpu.memory_space<hbm>>
        tpu.wait_dma2 semaphore(%run_scoped3A : memref<!tpu.dma_semaphore, #tpu.memory_space<semaphore_mem>>) src(%arg16 : memref<10000xf32, #tpu.memory_space<vmem_shared>>) dst(%dma_wait3A_19 : memref<10000xf32, #tpu.memory_space<hbm>>)
        tpu.yield
      }) : () -> ()
    } else {
    }
    return
  }
}

#map = affine_map<(d0, d1) -> (0, 0)>
#map1 = affine_map<(d0, d1) -> (0)>
#map2 = affine_map<(d0, d1) -> (0, 0, 0)>
module attributes {stable_mosaic.version = 14 : i64} {
  func.func @body(%arg0: i32, %arg1: i32, %arg2: memref<10000x128xf32, #tpu.memory_space<hbm>>, %arg3: memref<320000xi32, #tpu.memory_space<hbm>>, %arg4: memref<320000xi32, #tpu.memory_space<hbm>>, %arg5: memref<10000x128xf32, #tpu.memory_space<hbm>>, %arg6: memref<10000xf32, #tpu.memory_space<hbm>>, %arg7: memref<80xf32, #tpu.memory_space<hbm>>, %arg8: memref<2x10000x128xf32, #tpu.memory_space<hbm>>, %arg9: memref<80xi32, #tpu.memory_space<vmem>>, %arg10: memref<80xi32, #tpu.memory_space<vmem>>, %arg11: memref<80x128xf32, #tpu.memory_space<vmem>>, %arg12: memref<10000x128xf32, #tpu.memory_space<vmem_shared>>, %arg13: memref<!tpu.dma_semaphore, #tpu.memory_space<semaphore_mem>>) attributes {dimension_semantics = [#tpu.dimension_semantics<core_parallel>, #tpu.dimension_semantics<subcore_parallel>], iteration_bounds = array<i64: 2, 16>, scalar_prefetch = 0 : i64, scratch_operands = 5 : i64, tpu.core_type = #tpu.core_type<sc_vector_subcore>, window_params = [{transform_indices = #map}, {transform_indices = #map1}, {transform_indices = #map1}, {transform_indices = #map}, {transform_indices = #map1}, {transform_indices = #map1}, {transform_indices = #map2}]} {
    %mul3A = arith.constant 16 : i32
    %mul3A_0 = arith.muli %arg0, %mul3A : i32
    %add3A = arith.addi %mul3A_0, %arg1 : i32
    %mul3A_1 = arith.constant 625 : i32
    %mul3A_2 = arith.muli %arg1, %mul3A_1 : i32
    %multiple_of3A = tpu.assume_multiple %mul3A_2, 8 : i32
    "tpu.region"() ({
      %run_scoped3A = tpu.sem_alloc : memref<!tpu.dma_semaphore, #tpu.memory_space<semaphore_mem>>
      %dma_start3A = arith.constant 0 : i32
      %dma_start3A_9 = tpu.memref_slice %arg12[%multiple_of3A, %dma_start3A] : memref<10000x128xf32, #tpu.memory_space<vmem_shared>> -> memref<625x128xf32, #tpu.memory_space<vmem_shared>>
      %dma_start3A_10 = arith.constant 0 : i32
      %dma_start3A_11 = tpu.memref_slice %arg5[%multiple_of3A, %dma_start3A_10] : memref<10000x128xf32, #tpu.memory_space<hbm>> -> memref<625x128xf32, #tpu.memory_space<hbm>>
      tpu.enqueue_dma source(%dma_start3A_11 : memref<625x128xf32, #tpu.memory_space<hbm>>) target(%dma_start3A_9 : memref<625x128xf32, #tpu.memory_space<vmem_shared>>) target_semaphore(%run_scoped3A : memref<!tpu.dma_semaphore, #tpu.memory_space<semaphore_mem>>)
      %dma_wait3A = arith.constant 0 : i32
      %dma_wait3A_12 = tpu.memref_slice %arg12[%multiple_of3A, %dma_wait3A] : memref<10000x128xf32, #tpu.memory_space<vmem_shared>> -> memref<625x128xf32, #tpu.memory_space<vmem_shared>>
      %dma_wait3A_13 = arith.constant 0 : i32
      %dma_wait3A_14 = tpu.memref_slice %arg5[%multiple_of3A, %dma_wait3A_13] : memref<10000x128xf32, #tpu.memory_space<hbm>> -> memref<625x128xf32, #tpu.memory_space<hbm>>
      tpu.wait_dma2 semaphore(%run_scoped3A : memref<!tpu.dma_semaphore, #tpu.memory_space<semaphore_mem>>) src(%dma_wait3A_14 : memref<625x128xf32, #tpu.memory_space<hbm>>) dst(%dma_wait3A_12 : memref<625x128xf32, #tpu.memory_space<vmem_shared>>)
      tpu.yield
    }) : () -> ()
    %barrier3A = arith.constant 0 : index
    tpu.barrier barrier_id(%barrier3A)
    %scan3A = arith.constant 0 : i32
    %scan3A_3 = arith.constant 0 : i32
    %scan3A_4 = arith.constant 125 : i32
    %scan3A_5 = arith.addi %scan3A_3, %scan3A_4 : i32
    %scan3A_6 = arith.constant 1 : i32
    scf.for %scan3A_9 = %scan3A_3 to %scan3A_5 step %scan3A_6  : i32 {
      %mul3A_10 = arith.constant 10000 : i32
      %mul3A_11 = arith.muli %add3A, %mul3A_10 : i32
      %mul3A_12 = arith.constant 80 : i32
      %mul3A_13 = arith.muli %scan3A_9, %mul3A_12 : i32
      %add3A_14 = arith.addi %mul3A_11, %mul3A_13 : i32
      %multiple_of3A_15 = tpu.assume_multiple %add3A_14, 8 : i32
      "tpu.region"() ({
        %run_scoped3A = tpu.sem_alloc : memref<!tpu.dma_semaphore, #tpu.memory_space<semaphore_mem>>
        %dma_start3A_20 = tpu.memref_slice %arg3[%multiple_of3A_15] : memref<320000xi32, #tpu.memory_space<hbm>> -> memref<80xi32, #tpu.memory_space<hbm>>
        %dma_start3A_21 = tpu.memref_slice %arg3[%multiple_of3A_15] : memref<320000xi32, #tpu.memory_space<hbm>> -> memref<80xi32, #tpu.memory_space<hbm>>
        tpu.enqueue_dma source(%dma_start3A_21 : memref<80xi32, #tpu.memory_space<hbm>>) target(%arg9 : memref<80xi32, #tpu.memory_space<vmem>>) target_semaphore(%run_scoped3A : memref<!tpu.dma_semaphore, #tpu.memory_space<semaphore_mem>>)
        %dma_wait3A_22 = tpu.memref_slice %arg3[%multiple_of3A_15] : memref<320000xi32, #tpu.memory_space<hbm>> -> memref<80xi32, #tpu.memory_space<hbm>>
        %dma_wait3A_23 = tpu.memref_slice %arg3[%multiple_of3A_15] : memref<320000xi32, #tpu.memory_space<hbm>> -> memref<80xi32, #tpu.memory_space<hbm>>
        tpu.wait_dma2 semaphore(%run_scoped3A : memref<!tpu.dma_semaphore, #tpu.memory_space<semaphore_mem>>) src(%dma_wait3A_23 : memref<80xi32, #tpu.memory_space<hbm>>) dst(%arg9 : memref<80xi32, #tpu.memory_space<vmem>>)
        tpu.yield
      }) : () -> ()
      "tpu.region"() ({
        %run_scoped3A = tpu.sem_alloc : memref<!tpu.dma_semaphore, #tpu.memory_space<semaphore_mem>>
        %dma_start3A_20 = tpu.memref_slice %arg4[%multiple_of3A_15] : memref<320000xi32, #tpu.memory_space<hbm>> -> memref<80xi32, #tpu.memory_space<hbm>>
        %dma_start3A_21 = tpu.memref_slice %arg4[%multiple_of3A_15] : memref<320000xi32, #tpu.memory_space<hbm>> -> memref<80xi32, #tpu.memory_space<hbm>>
        tpu.enqueue_dma source(%dma_start3A_21 : memref<80xi32, #tpu.memory_space<hbm>>) target(%arg10 : memref<80xi32, #tpu.memory_space<vmem>>) target_semaphore(%run_scoped3A : memref<!tpu.dma_semaphore, #tpu.memory_space<semaphore_mem>>)
        %dma_wait3A_22 = tpu.memref_slice %arg4[%multiple_of3A_15] : memref<320000xi32, #tpu.memory_space<hbm>> -> memref<80xi32, #tpu.memory_space<hbm>>
        %dma_wait3A_23 = tpu.memref_slice %arg4[%multiple_of3A_15] : memref<320000xi32, #tpu.memory_space<hbm>> -> memref<80xi32, #tpu.memory_space<hbm>>
        tpu.wait_dma2 semaphore(%run_scoped3A : memref<!tpu.dma_semaphore, #tpu.memory_space<semaphore_mem>>) src(%dma_wait3A_23 : memref<80xi32, #tpu.memory_space<hbm>>) dst(%arg10 : memref<80xi32, #tpu.memory_space<vmem>>)
        tpu.yield
      }) : () -> ()
      %dma_start3A = arith.constant 0 : i32
      %dma_start3A_16 = arith.constant 0 : i32
      %dma_start3A_17 = tpu.memref_slice %arg2[%dma_start3A, %dma_start3A_16] : memref<10000x128xf32, #tpu.memory_space<hbm>> -> memref<10000x128xf32, #tpu.memory_space<hbm>>
      tpu.enqueue_indirect_dma source(%dma_start3A_17 : memref<10000x128xf32, #tpu.memory_space<hbm>>) target(%arg11 : memref<80x128xf32, #tpu.memory_space<vmem>>) offsets(%arg9 : memref<80xi32, #tpu.memory_space<vmem>>) semaphore(%arg13 : memref<!tpu.dma_semaphore, #tpu.memory_space<semaphore_mem>>)
      %dma_wait3A = arith.constant 0 : i32
      %dma_wait3A_18 = arith.constant 0 : i32
      %dma_wait3A_19 = tpu.memref_slice %arg2[%dma_wait3A, %dma_wait3A_18] : memref<10000x128xf32, #tpu.memory_space<hbm>> -> memref<10000x128xf32, #tpu.memory_space<hbm>>
      tpu.wait_indirect_dma semaphore(%arg13 : memref<!tpu.dma_semaphore, #tpu.memory_space<semaphore_mem>>) src(%dma_wait3A_19 : memref<10000x128xf32, #tpu.memory_space<hbm>>) dst(%arg11 : memref<80x128xf32, #tpu.memory_space<vmem>>)
      "tpu.region"() ({
        %run_scoped3A = tpu.sem_alloc : memref<!tpu.dma_semaphore, #tpu.memory_space<semaphore_mem>>
        %dma_start3A_20 = arith.constant 0 : i32
        %dma_start3A_21 = arith.constant 0 : i32
        %dma_start3A_22 = tpu.memref_slice %arg12[%dma_start3A_20, %dma_start3A_21] : memref<10000x128xf32, #tpu.memory_space<vmem_shared>> -> memref<10000x128xf32, #tpu.memory_space<vmem_shared>>
        tpu.enqueue_indirect_dma source(%arg11 : memref<80x128xf32, #tpu.memory_space<vmem>>) target(%dma_start3A_22 : memref<10000x128xf32, #tpu.memory_space<vmem_shared>>) offsets(%arg10 : memref<80xi32, #tpu.memory_space<vmem>>) semaphore(%run_scoped3A : memref<!tpu.dma_semaphore, #tpu.memory_space<semaphore_mem>>) {add = true}
        %dma_wait3A_23 = arith.constant 0 : i32
        %dma_wait3A_24 = arith.constant 0 : i32
        %dma_wait3A_25 = tpu.memref_slice %arg12[%dma_wait3A_23, %dma_wait3A_24] : memref<10000x128xf32, #tpu.memory_space<vmem_shared>> -> memref<10000x128xf32, #tpu.memory_space<vmem_shared>>
        tpu.wait_indirect_dma semaphore(%run_scoped3A : memref<!tpu.dma_semaphore, #tpu.memory_space<semaphore_mem>>) src(%arg11 : memref<80x128xf32, #tpu.memory_space<vmem>>) dst(%dma_wait3A_25 : memref<10000x128xf32, #tpu.memory_space<vmem_shared>>)
        tpu.yield
      }) : () -> ()
    }
    %scan3A_7 = arith.constant 125 : i32
    %barrier3A_8 = arith.constant 0 : index
    tpu.barrier barrier_id(%barrier3A_8)
    "tpu.region"() ({
      %run_scoped3A = tpu.sem_alloc : memref<!tpu.dma_semaphore, #tpu.memory_space<semaphore_mem>>
      %dma_start3A = arith.constant 0 : i32
      %dma_start3A_9 = tpu.memref_slice %arg8[%arg0, %multiple_of3A, %dma_start3A] : memref<2x10000x128xf32, #tpu.memory_space<hbm>> -> memref<1x625x128xf32, #tpu.memory_space<hbm>>
      %dma_start3A_10 = tpu.memref_squeeze %dma_start3A_9 : memref<1x625x128xf32, #tpu.memory_space<hbm>> -> memref<625x128xf32, #tpu.memory_space<hbm>>
      %dma_start3A_11 = arith.constant 0 : i32
      %dma_start3A_12 = tpu.memref_slice %arg12[%multiple_of3A, %dma_start3A_11] : memref<10000x128xf32, #tpu.memory_space<vmem_shared>> -> memref<625x128xf32, #tpu.memory_space<vmem_shared>>
      tpu.enqueue_dma source(%dma_start3A_12 : memref<625x128xf32, #tpu.memory_space<vmem_shared>>) target(%dma_start3A_10 : memref<625x128xf32, #tpu.memory_space<hbm>>) target_semaphore(%run_scoped3A : memref<!tpu.dma_semaphore, #tpu.memory_space<semaphore_mem>>)
      %dma_wait3A = arith.constant 0 : i32
      %dma_wait3A_13 = tpu.memref_slice %arg8[%arg0, %multiple_of3A, %dma_wait3A] : memref<2x10000x128xf32, #tpu.memory_space<hbm>> -> memref<1x625x128xf32, #tpu.memory_space<hbm>>
      %dma_wait3A_14 = tpu.memref_squeeze %dma_wait3A_13 : memref<1x625x128xf32, #tpu.memory_space<hbm>> -> memref<625x128xf32, #tpu.memory_space<hbm>>
      %dma_wait3A_15 = arith.constant 0 : i32
      %dma_wait3A_16 = tpu.memref_slice %arg12[%multiple_of3A, %dma_wait3A_15] : memref<10000x128xf32, #tpu.memory_space<vmem_shared>> -> memref<625x128xf32, #tpu.memory_space<vmem_shared>>
      tpu.wait_dma2 semaphore(%run_scoped3A : memref<!tpu.dma_semaphore, #tpu.memory_space<semaphore_mem>>) src(%dma_wait3A_16 : memref<625x128xf32, #tpu.memory_space<vmem_shared>>) dst(%dma_wait3A_14 : memref<625x128xf32, #tpu.memory_space<hbm>>)
      tpu.yield
    }) : () -> ()
    return
  }
}

module attributes {stable_mosaic.version = 14 : i64} {
  func.func @body(%arg0: i32, %arg1: memref<2000x128xf32, #tpu.memory_space<vmem>>, %arg2: memref<2000x128xf32, #tpu.memory_space<vmem>>, %arg3: memref<2000x1xf32, #tpu.memory_space<vmem>>, %arg4: memref<2000x1xf32, #tpu.memory_space<vmem>>, %arg5: memref<2000x128xf32, #tpu.memory_space<vmem>>, %arg6: memref<128x128xf32, #tpu.memory_space<vmem>>, %arg7: memref<1x128xf32, #tpu.memory_space<vmem>>, %arg8: memref<128x128xf32, #tpu.memory_space<vmem>>, %arg9: memref<2000x128xf32, #tpu.memory_space<vmem>>) attributes {dimension_semantics = [#tpu.dimension_semantics<arbitrary>], iteration_bounds = array<i64: 5>, scalar_prefetch = 0 : i64, scratch_operands = 0 : i64, tpu.core_type = #tpu.core_type<tc>, window_params = [{transform_indices = @transform_0, window_bounds = array<i64: 2000, 128>}, {transform_indices = @transform_1, window_bounds = array<i64: 2000, 128>}, {transform_indices = @transform_2, window_bounds = array<i64: 2000, 1>}, {transform_indices = @transform_3, window_bounds = array<i64: 2000, 1>}, {transform_indices = @transform_4, window_bounds = array<i64: 2000, 128>}, {pipeline_mode = #tpu.pipeline_mode<synchronous>, transform_indices = @transform_5, window_bounds = array<i64: 128, 128>}, {pipeline_mode = #tpu.pipeline_mode<synchronous>, transform_indices = @transform_6, window_bounds = array<i64: 1, 128>}, {pipeline_mode = #tpu.pipeline_mode<synchronous>, transform_indices = @transform_7, window_bounds = array<i64: 128, 128>}, {transform_indices = @transform_8, window_bounds = array<i64: 2000, 128>}]} {
    %get3A = arith.constant 0 : index
    %get3A_0 = arith.constant 0 : index
    %get3A_1 = vector.load %arg3[%get3A, %get3A_0] : memref<2000x1xf32, #tpu.memory_space<vmem>>, vector<2000x1xf32>
    %get3A_2 = arith.constant 0 : index
    %get3A_3 = arith.constant 0 : index
    %get3A_4 = vector.load %arg4[%get3A_2, %get3A_3] : memref<2000x1xf32, #tpu.memory_space<vmem>>, vector<2000x1xf32>
    %add3A = arith.addf %get3A_1, %get3A_4 : vector<2000x1xf32>
    %max3A = arith.constant 1.000000e+00 : f32
    %max3A_5 = vector.broadcast %max3A : f32 to vector<2000x1xf32>
    %max3A_6 = arith.maximumf %add3A, %max3A_5 : vector<2000x1xf32>
    %get3A_7 = arith.constant 0 : index
    %get3A_8 = arith.constant 0 : index
    %get3A_9 = vector.load %arg1[%get3A_7, %get3A_8] : memref<2000x128xf32, #tpu.memory_space<vmem>>, vector<2000x128xf32>
    %get3A_10 = arith.constant 0 : index
    %get3A_11 = arith.constant 0 : index
    %get3A_12 = vector.load %arg2[%get3A_10, %get3A_11] : memref<2000x128xf32, #tpu.memory_space<vmem>>, vector<2000x128xf32>
    %add3A_13 = arith.addf %get3A_9, %get3A_12 : vector<2000x128xf32>
    %div3A = vector.broadcast %max3A_6 : vector<2000x1xf32> to vector<2000x128xf32>
    %div3A_14 = arith.divf %add3A_13, %div3A : vector<2000x128xf32>
    %get3A_15 = arith.constant 0 : index
    %get3A_16 = arith.constant 0 : index
    %get3A_17 = vector.load %arg6[%get3A_15, %get3A_16] : memref<128x128xf32, #tpu.memory_space<vmem>>, vector<128x128xf32>
    %dot_general3A = arith.constant dense<0.000000e+00> : vector<2000x128xf32>
    %dot_general3A_18 = tpu.matmul %div3A_14, %get3A_17, %dot_general3A {dimension_numbers = #tpu.dot_dimension_numbers<[1], [1], [0], [0], [0, 0, 1, 0], [], []>, transpose_lhs_hint = false} : vector<2000x128xf32>, vector<128x128xf32>, vector<2000x128xf32> -> vector<2000x128xf32>
    %get3A_19 = arith.constant 0 : index
    %get3A_20 = arith.constant 0 : index
    %get3A_21 = vector.load %arg5[%get3A_19, %get3A_20] : memref<2000x128xf32, #tpu.memory_space<vmem>>, vector<2000x128xf32>
    %get3A_22 = arith.constant 0 : index
    %get3A_23 = arith.constant 0 : index
    %get3A_24 = vector.load %arg8[%get3A_22, %get3A_23] : memref<128x128xf32, #tpu.memory_space<vmem>>, vector<128x128xf32>
    %dot_general3A_25 = arith.constant dense<0.000000e+00> : vector<2000x128xf32>
    %dot_general3A_26 = tpu.matmul %get3A_21, %get3A_24, %dot_general3A_25 {dimension_numbers = #tpu.dot_dimension_numbers<[1], [1], [0], [0], [0, 0, 1, 0], [], []>, transpose_lhs_hint = false} : vector<2000x128xf32>, vector<128x128xf32>, vector<2000x128xf32> -> vector<2000x128xf32>
    %add3A_27 = arith.addf %dot_general3A_18, %dot_general3A_26 : vector<2000x128xf32>
    %get3A_28 = arith.constant 0 : index
    %get3A_29 = arith.constant 0 : index
    %get3A_30 = vector.load %arg7[%get3A_28, %get3A_29] : memref<1x128xf32, #tpu.memory_space<vmem>>, vector<1x128xf32>
    %add3A_31 = vector.broadcast %get3A_30 : vector<1x128xf32> to vector<2000x128xf32>
    %add3A_32 = arith.addf %add3A_27, %add3A_31 : vector<2000x128xf32>
    %max3A_33 = arith.constant 0.000000e+00 : f32
    %max3A_34 = vector.broadcast %max3A_33 : f32 to vector<2000x128xf32>
    %max3A_35 = arith.maximumf %add3A_32, %max3A_34 : vector<2000x128xf32>
    %swap3A = arith.constant 0 : index
    %swap3A_36 = arith.constant 0 : index
    %swap3A_37 = vector.load %arg9[%swap3A, %swap3A_36] : memref<2000x128xf32, #tpu.memory_space<vmem>>, vector<2000x128xf32>
    tpu.vector_store %arg9[%swap3A, %swap3A_36], %max3A_35 {strides = array<i32>} : memref<2000x128xf32, #tpu.memory_space<vmem>>, vector<2000x128xf32>,
    return
  }
  func.func @transform_0(%arg0: i32) -> (i32, i32) {
    %c0_i32 = arith.constant 0 : i32
    %c0_i32_0 = arith.constant 0 : i32
    return %arg0, %c0_i32 : i32, i32
  }
  func.func @transform_1(%arg0: i32) -> (i32, i32) {
    %c0_i32 = arith.constant 0 : i32
    %c0_i32_0 = arith.constant 0 : i32
    return %arg0, %c0_i32 : i32, i32
  }
  func.func @transform_2(%arg0: i32) -> (i32, i32) {
    %c0_i32 = arith.constant 0 : i32
    %c0_i32_0 = arith.constant 0 : i32
    return %arg0, %c0_i32 : i32, i32
  }
  func.func @transform_3(%arg0: i32) -> (i32, i32) {
    %c0_i32 = arith.constant 0 : i32
    %c0_i32_0 = arith.constant 0 : i32
    return %arg0, %c0_i32 : i32, i32
  }
  func.func @transform_4(%arg0: i32) -> (i32, i32) {
    %c0_i32 = arith.constant 0 : i32
    %c0_i32_0 = arith.constant 0 : i32
    return %arg0, %c0_i32 : i32, i32
  }
  func.func @transform_5(%arg0: i32) -> (i32, i32) {
    %c0_i32 = arith.constant 0 : i32
    %c0_i32_0 = arith.constant 0 : i32
    %c0_i32_1 = arith.constant 0 : i32
    return %c0_i32, %c0_i32_0 : i32, i32
  }
  func.func @transform_6(%arg0: i32) -> (i32, i32) {
    %c0_i32 = arith.constant 0 : i32
    %c0_i32_0 = arith.constant 0 : i32
    %c0_i32_1 = arith.constant 0 : i32
    return %c0_i32, %c0_i32_0 : i32, i32
  }
  func.func @transform_7(%arg0: i32) -> (i32, i32) {
    %c0_i32 = arith.constant 0 : i32
    %c0_i32_0 = arith.constant 0 : i32
    %c0_i32_1 = arith.constant 0 : i32
    return %c0_i32, %c0_i32_0 : i32, i32
  }
  func.func @transform_8(%arg0: i32) -> (i32, i32) {
    %c0_i32 = arith.constant 0 : i32
    %c0_i32_0 = arith.constant 0 : i32
    return %arg0, %c0_i32 : i32, i32
  }
}

module attributes {stable_mosaic.version = 14 : i64} {
  func.func @body(%arg0: i32, %arg1: memref<2000x128xf32, #tpu.memory_space<vmem>>, %arg2: memref<2000x128xf32, #tpu.memory_space<vmem>>, %arg3: memref<2000x1xf32, #tpu.memory_space<vmem>>, %arg4: memref<2000x1xf32, #tpu.memory_space<vmem>>, %arg5: memref<2000x128xf32, #tpu.memory_space<vmem>>, %arg6: memref<128x128xf32, #tpu.memory_space<vmem>>, %arg7: memref<1x128xf32, #tpu.memory_space<vmem>>, %arg8: memref<128x128xf32, #tpu.memory_space<vmem>>, %arg9: memref<2000x128xf32, #tpu.memory_space<vmem>>) attributes {dimension_semantics = [#tpu.dimension_semantics<arbitrary>], iteration_bounds = array<i64: 5>, scalar_prefetch = 0 : i64, scratch_operands = 0 : i64, tpu.core_type = #tpu.core_type<tc>, window_params = [{transform_indices = @transform_0, window_bounds = array<i64: 2000, 128>}, {transform_indices = @transform_1, window_bounds = array<i64: 2000, 128>}, {transform_indices = @transform_2, window_bounds = array<i64: 2000, 1>}, {transform_indices = @transform_3, window_bounds = array<i64: 2000, 1>}, {transform_indices = @transform_4, window_bounds = array<i64: 2000, 128>}, {pipeline_mode = #tpu.pipeline_mode<synchronous>, transform_indices = @transform_5, window_bounds = array<i64: 128, 128>}, {pipeline_mode = #tpu.pipeline_mode<synchronous>, transform_indices = @transform_6, window_bounds = array<i64: 1, 128>}, {pipeline_mode = #tpu.pipeline_mode<synchronous>, transform_indices = @transform_7, window_bounds = array<i64: 128, 128>}, {transform_indices = @transform_8, window_bounds = array<i64: 2000, 128>}]} {
    %get3A = arith.constant 0 : index
    %get3A_0 = arith.constant 0 : index
    %get3A_1 = vector.load %arg3[%get3A, %get3A_0] : memref<2000x1xf32, #tpu.memory_space<vmem>>, vector<2000x1xf32>
    %get3A_2 = arith.constant 0 : index
    %get3A_3 = arith.constant 0 : index
    %get3A_4 = vector.load %arg4[%get3A_2, %get3A_3] : memref<2000x1xf32, #tpu.memory_space<vmem>>, vector<2000x1xf32>
    %add3A = arith.addf %get3A_1, %get3A_4 : vector<2000x1xf32>
    %max3A = arith.constant 1.000000e+00 : f32
    %max3A_5 = vector.broadcast %max3A : f32 to vector<2000x1xf32>
    %max3A_6 = arith.maximumf %add3A, %max3A_5 : vector<2000x1xf32>
    %get3A_7 = arith.constant 0 : index
    %get3A_8 = arith.constant 0 : index
    %get3A_9 = vector.load %arg1[%get3A_7, %get3A_8] : memref<2000x128xf32, #tpu.memory_space<vmem>>, vector<2000x128xf32>
    %get3A_10 = arith.constant 0 : index
    %get3A_11 = arith.constant 0 : index
    %get3A_12 = vector.load %arg2[%get3A_10, %get3A_11] : memref<2000x128xf32, #tpu.memory_space<vmem>>, vector<2000x128xf32>
    %add3A_13 = arith.addf %get3A_9, %get3A_12 : vector<2000x128xf32>
    %div3A = vector.broadcast %max3A_6 : vector<2000x1xf32> to vector<2000x128xf32>
    %div3A_14 = arith.divf %add3A_13, %div3A : vector<2000x128xf32>
    %get3A_15 = arith.constant 0 : index
    %get3A_16 = arith.constant 0 : index
    %get3A_17 = vector.load %arg6[%get3A_15, %get3A_16] : memref<128x128xf32, #tpu.memory_space<vmem>>, vector<128x128xf32>
    %dot_general3A = arith.constant dense<0.000000e+00> : vector<2000x128xf32>
    %dot_general3A_18 = tpu.matmul %div3A_14, %get3A_17, %dot_general3A {dimension_numbers = #tpu.dot_dimension_numbers<[1], [1], [0], [0], [0, 0, 1, 0], [], []>, transpose_lhs_hint = false} : vector<2000x128xf32>, vector<128x128xf32>, vector<2000x128xf32> -> vector<2000x128xf32>
    %get3A_19 = arith.constant 0 : index
    %get3A_20 = arith.constant 0 : index
    %get3A_21 = vector.load %arg5[%get3A_19, %get3A_20] : memref<2000x128xf32, #tpu.memory_space<vmem>>, vector<2000x128xf32>
    %get3A_22 = arith.constant 0 : index
    %get3A_23 = arith.constant 0 : index
    %get3A_24 = vector.load %arg8[%get3A_22, %get3A_23] : memref<128x128xf32, #tpu.memory_space<vmem>>, vector<128x128xf32>
    %dot_general3A_25 = arith.constant dense<0.000000e+00> : vector<2000x128xf32>
    %dot_general3A_26 = tpu.matmul %get3A_21, %get3A_24, %dot_general3A_25 {dimension_numbers = #tpu.dot_dimension_numbers<[1], [1], [0], [0], [0, 0, 1, 0], [], []>, transpose_lhs_hint = false} : vector<2000x128xf32>, vector<128x128xf32>, vector<2000x128xf32> -> vector<2000x128xf32>
    %add3A_27 = arith.addf %dot_general3A_18, %dot_general3A_26 : vector<2000x128xf32>
    %get3A_28 = arith.constant 0 : index
    %get3A_29 = arith.constant 0 : index
    %get3A_30 = vector.load %arg7[%get3A_28, %get3A_29] : memref<1x128xf32, #tpu.memory_space<vmem>>, vector<1x128xf32>
    %add3A_31 = vector.broadcast %get3A_30 : vector<1x128xf32> to vector<2000x128xf32>
    %add3A_32 = arith.addf %add3A_27, %add3A_31 : vector<2000x128xf32>
    %swap3A = arith.constant 0 : index
    %swap3A_33 = arith.constant 0 : index
    %swap3A_34 = vector.load %arg9[%swap3A, %swap3A_33] : memref<2000x128xf32, #tpu.memory_space<vmem>>, vector<2000x128xf32>
    tpu.vector_store %arg9[%swap3A, %swap3A_33], %add3A_32 {strides = array<i32>} : memref<2000x128xf32, #tpu.memory_space<vmem>>, vector<2000x128xf32>,
    return
  }
  func.func @transform_0(%arg0: i32) -> (i32, i32) {
    %c0_i32 = arith.constant 0 : i32
    %c0_i32_0 = arith.constant 0 : i32
    return %arg0, %c0_i32 : i32, i32
  }
  func.func @transform_1(%arg0: i32) -> (i32, i32) {
    %c0_i32 = arith.constant 0 : i32
    %c0_i32_0 = arith.constant 0 : i32
    return %arg0, %c0_i32 : i32, i32
  }
  func.func @transform_2(%arg0: i32) -> (i32, i32) {
    %c0_i32 = arith.constant 0 : i32
    %c0_i32_0 = arith.constant 0 : i32
    return %arg0, %c0_i32 : i32, i32
  }
  func.func @transform_3(%arg0: i32) -> (i32, i32) {
    %c0_i32 = arith.constant 0 : i32
    %c0_i32_0 = arith.constant 0 : i32
    return %arg0, %c0_i32 : i32, i32
  }
  func.func @transform_4(%arg0: i32) -> (i32, i32) {
    %c0_i32 = arith.constant 0 : i32
    %c0_i32_0 = arith.constant 0 : i32
    return %arg0, %c0_i32 : i32, i32
  }
  func.func @transform_5(%arg0: i32) -> (i32, i32) {
    %c0_i32 = arith.constant 0 : i32
    %c0_i32_0 = arith.constant 0 : i32
    %c0_i32_1 = arith.constant 0 : i32
    return %c0_i32, %c0_i32_0 : i32, i32
  }
  func.func @transform_6(%arg0: i32) -> (i32, i32) {
    %c0_i32 = arith.constant 0 : i32
    %c0_i32_0 = arith.constant 0 : i32
    %c0_i32_1 = arith.constant 0 : i32
    return %c0_i32, %c0_i32_0 : i32, i32
  }
  func.func @transform_7(%arg0: i32) -> (i32, i32) {
    %c0_i32 = arith.constant 0 : i32
    %c0_i32_0 = arith.constant 0 : i32
    %c0_i32_1 = arith.constant 0 : i32
    return %c0_i32, %c0_i32_0 : i32, i32
  }
  func.func @transform_8(%arg0: i32) -> (i32, i32) {
    %c0_i32 = arith.constant 0 : i32
    %c0_i32_0 = arith.constant 0 : i32
    return %arg0, %c0_i32 : i32, i32
  }
}

</mosaic_0001>

<sc_bundles>
// kernel: kernel.6.cloned.1.call-start
scs
__scs_entry_jumppad:
0x0: {  	(pc) =	sbr.rel $0x88, $3  }
0x1: {  	(tag) =	ssettag $0x0;
	lr =	simm.s32 $0x1  }
0x2: {  	[smem:$0x3F99] =	sst lr;
	_ =	strace $0xD0000000  }
0x3: {  	_ = 	snop  }
0x4: {  	_ = 	snop  }
0x5: {  	_ = 	snop  }
0x6: {  	_ = 	snop  }
0x7: {  	_ = 	snop  }
__scs_overlays_trampoline_lowered:
0x8: {  	[smem:$0x3FA8] =	sst s0  }
0x9: {  	[smem:$0x3FA9] =	sst s1  }
0xa: {  	[smem:$0x3FAA] =	sst s2  }
0xb: {  	[smem:$0x3FAB] =	sst s3  }
0xc: {  	[smem:$0x3FAC] =	sst s4  }
0xd: {  	[smem:$0x3FAD] =	sst s5  }
0xe: {  	[smem:$0x3FAE] =	sst s6  }
0xf: {  	[smem:$0x3FAF] =	sst s7  }
0x10: {  	[smem:$0x3FB0] =	sst s8  }
0x11: {  	[smem:$0x3FB1] =	sst s9;
	s0 =	simm.s32 @!p0 $0x0  }
0x12: {  	s1 =	sld [smem:$0x3F97];
	s0 =	simm.s32 @p0 $0x1  }
0x13: {  	[smem:$0x3FB2] =	sst s0;
	s0 =	simm.s32 @!p1 $0x0  }
0x14: {  	s2 =	sld [smem:$0x3F96];
	s0 =	simm.s32 @p1 $0x1  }
0x15: {  	[smem:$0x3FB3] =	sst s0;
	s0 =	simm.s32 @!p2 $0x0  }
0x16: {  	s3 =	sld [smem:$0x3FDB];
	s0 =	simm.s32 @p2 $0x1  }
0x17: {  	s4 =	simm.s32 $0x1BF5;
	[smem:$0x3FB5] =	sst s0  }
0x18: {  	s0 =	sld [smem:$0x3F98];
	_ =	swait.ge [sflag:s4], $0x0  }
0x19: {  	s7 =	sld [smem:$0x3F99]  }
0x1a: {  	s8 =	sadd.s32 $0xFFFFE003, lr  }
0x1b: {  	s9 =	sadd.s32 $0xFFFFFEF7, lr;
	s5 =	simm.s32 $0xFFFFFFFF;
	p2 =	slt.u32 s8, $0xFFFFF086  }
0x1c: {  	p1 =	slt.u32 s9, $0xF7A;
	s5 =	simm.s32 @!p2 $0x0  }
0x1d: {  	s5 =	simm.s32 @p1 $0x1;
	p0 =	seq.s32 s7, s2  }
0x1e: {  	s7 =	smul.u32 @!p0 $0xF7A, s2;
	p2 =	seq.s32 @!p0 s5, $0x0  }
0x1f: {  	s9 =	smul.u32 $0xF7A, s1;
	s8 =	simm.s32 @!p0 $0x1BF5;
	p2 =	por !p2, p0  }
0x20: {  	[sflag:s8] =	ssyncset.s32 @!p0 $0xFFFFF086;
	s6 =	sadd.s32 @!p0 s3, s7;
	s7 =	simm.s32 @!p0 $0x108  }
0x21: {  	s3 =	sadd.s32 s3, s9;
	s6 =	sadd.s32 @!p0 $0x88, s6;
	s7 =	simm.s32 @p2 $0x1082  }
0x22: {  	[simem:s7], [sflag:s8] =	dma.local @!p0 [hbm:s6], $0xF7A  }
0x23: {  	s9 =	sor.u32 $0xD0000000, s2;
	s6 =	simm.s32 $0x108;
	_ =	swait.ge @!p0 [sflag:s8], $0x0  }
0x24: {  	s3 =	sadd.s32 $0x88, s3;
	s6 =	simm.s32 @!p1 $0x1082;
	[sflag:s4] =	ssyncset.s32 $0xFFFFF086  }
0x25: {  	[simem:s6], [sflag:s4] =	dma.local [hbm:s3], $0xF7A  }
0x26: {  	[smem:$0x3F99] =	sst s1;
	(tag) =	ssettag s2;
	_ =	strace s9  }
0x27: {  	s1 =	sld [smem:$0x3FA9]  }
0x28: {  	s2 =	sld [smem:$0x3FAA]  }
0x29: {  	s4 =	sld [smem:$0x3FAC]  }
0x2a: {  	p0 =	seq.s32 s5, $0x0;
	s5 =	sld [smem:$0x3FAD]  }
0x2b: {  	s6 =	sld [smem:$0x3FAE]  }
0x2c: {  	s7 =	sld [smem:$0x3FAF]  }
0x2d: {  	s3 =	simm.s32 $0x108;
	s8 =	sld [smem:$0x3FB0]  }
0x2e: {  	s3 =	simm.s32 @!p0 $0x1082;
	s9 =	sld [smem:$0x3FB1]  }
0x2f: {  	lr =	sadd.s32 s0, s3;
	s0 =	sld [smem:$0x3FA8]  }
0x30: {  	s3 =	sld [smem:$0x3FAB]  }
0x31: {  	[smem:$0x3FB4] =	sst s10  }
0x32: {  	s10 =	sld [smem:$0x3FB2];
	_ =	sdelay $0x3  }
0x33: {  	p0 =	seq.s32 s10, $0x1;
	s10 =	sld [smem:$0x3FB4];
	_ =	sdelay $0x3  }
0x34: {  	[smem:$0x3FB4] =	sst s10  }
0x35: {  	s10 =	sld [smem:$0x3FB3];
	_ =	sdelay $0x3  }
0x36: {  	p1 =	seq.s32 s10, $0x1;
	s10 =	sld [smem:$0x3FB4];
	_ =	sdelay $0x3  }
0x37: {  	[smem:$0x3FB4] =	sst s10  }
0x38: {  	s10 =	sld [smem:$0x3FB5]  }
0x39: {  	_ = 	snop;
	(pc) =	sbr.ind lr, $3  }
0x3a: {  	_ = 	snop  }
0x3b: {  	_ = 	snop  }
0x3c: {  	p2 =	seq.s32 s10, $0x1;
	s10 =	sld [smem:$0x3FB4]  }
0x3d: {  	_ =	shalt  }
0x3e: {  	_ =	shalt  }
0x3f: {  	_ =	shalt  }
0x40: {  	_ =	shalt  }
0x41: {  	_ =	shalt  }
0x42: {  	_ =	shalt  }
0x43: {  	_ =	shalt  }
0x44: {  	_ =	shalt  }
0x45: {  	_ =	shalt  }
0x46: {  	_ =	shalt  }
0x47: {  	_ =	shalt  }
0x48: {  	_ =	shalt  }
0x49: {  	_ =	shalt  }
0x4a: {  	_ =	shalt  }
0x4b: {  	_ =	shalt  }
0x4c: {  	_ =	shalt  }
0x4d: {  	_ =	shalt  }
0x4e: {  	_ =	shalt  }
0x4f: {  	_ =	shalt  }
0x50: {  	_ =	shalt  }
0x51: {  	_ =	shalt  }
0x52: {  	_ =	shalt  }
0x53: {  	_ =	shalt  }
0x54: {  	_ =	shalt  }
0x55: {  	_ =	shalt  }
0x56: {  	_ =	shalt  }
0x57: {  	_ =	shalt  }
0x58: {  	_ =	shalt  }
0x59: {  	_ =	shalt  }
0x5a: {  	_ =	shalt  }
0x5b: {  	_ =	shalt  }
0x5c: {  	_ =	shalt  }
0x5d: {  	_ =	shalt  }
0x5e: {  	_ =	shalt  }
0x5f: {  	_ =	shalt  }
0x60: {  	_ =	shalt  }
0x61: {  	_ =	shalt  }
0x62: {  	_ =	shalt  }
0x63: {  	_ =	shalt  }
0x64: {  	_ =	shalt  }
0x65: {  	_ =	shalt  }
0x66: {  	_ =	shalt  }
0x67: {  	_ =	shalt  }
0x68: {  	_ =	shalt  }
0x69: {  	_ =	shalt  }
0x6a: {  	_ =	shalt  }
0x6b: {  	_ =	shalt  }
0x6c: {  	_ =	shalt  }
0x6d: {  	_ =	shalt  }
0x6e: {  	_ =	shalt  }
0x6f: {  	_ =	shalt  }
0x70: {  	_ =	shalt  }
0x71: {  	_ =	shalt  }
0x72: {  	_ =	shalt  }
0x73: {  	_ =	shalt  }
0x74: {  	_ =	shalt  }
0x75: {  	_ =	shalt  }
0x76: {  	_ =	shalt  }
0x77: {  	_ =	shalt  }
0x78: {  	_ =	shalt  }
0x79: {  	_ =	shalt  }
0x7a: {  	_ =	shalt  }
0x7b: {  	_ =	shalt  }
0x7c: {  	_ =	shalt  }
0x7d: {  	_ =	shalt  }
0x7e: {  	_ =	shalt  }
0x7f: {  	_ =	shalt  }
0x80: {  	_ =	shalt  }
0x81: {  	_ =	shalt  }
0x82: {  	_ =	shalt  }
0x83: {  	_ =	shalt  }
0x84: {  	_ =	shalt  }
0x85: {  	_ =	shalt  }
0x86: {  	_ =	shalt  }
0x87: {  	_ =	shalt  }
.Lfunc_end0:
.L_simem_size_0:
called_computation_lowered:
.L_overlay_start_0:
0x88: {  	s2 =	sld [smem:$0x3FD9]  }
0x89: {  	s3 =	sld [smem:$0x3FFE];
	_ =	sdelay $0x1  }
0x8a: {  	s1 =	srdreg.scid  }
0x8b: {  	s0 =	sand.u32 $0x1, s1  }
0x8c: {  	s17 =	sshll.u32 s0, $0xA;
	s2 =	sadd.s32 s3, s2  }
0x8d: {  	s2 =	sadd.s32 s2, s17  }
0x8e: {  	[smem:$0x3FC0] =	sst s2  }
0x8f: {  	_ = 	snop  }
0x90: {  	s2 =	sld [smem:$0x3FC9]  }
0x91: {  	s18 =	sld [smem:$0x3FD0];
	(tm) =	ssettm $0x1  }
0x92: {  	s4 =	sld [smem:$0x3FFB];
	_ =	sdelay $0x3  }
0x93: {  	_ =	strace s4  }
0x94: {  	s4 =	sld [smem:$0x3FFC];
	_ =	sdelay $0x3  }
0x95: {  	_ =	strace s4  }
0x96: {  	s4 =	sld [smem:$0x3FFD];
	_ =	sdelay $0x3  }
0x97: {  	_ =	strace s4  }
0x98: {  	_ =	strace $0x8FFFFFFF  }
0x99: {  	s19 =	sld [smem:$0x3FDB];
	_ =	sdelay $0x1  }
0x9a: {  	s5 =	simm.s32 $_scs_section_size  }
0x9b: {  	s6 =	simm.s32 $_size__tile_overlayer_lowered;
	s7 =	simm.s32 $_tile_overlayer_lowered  }
0x9c: {  	s22 =	simm.s32 $0x1BFF;
	s21 =	sshll.u32 s7, $0x1;
	s4 =	sadd.s32 s5, s19  }
0x9d: {  	s8 =	simm.s32 $0x0;
	s20 =	sshll.u32 s6, $0x1;
	s6 =	sadd.s32 s21, s4  }
0x9e: {  	[timem:s8], [sflag:s22] =	dma.local [hbm:s6], s20  }
0x9f: {  	_ =	swait.ge [sflag:s22], s20  }
0xa0: {  	s5 =	ssub.s32 $0x0, s20;
	[sflag:s22] =	ssyncset.done $0x0  }
0xa1: {  	[sflag:s22] =	ssyncadd.s32 s5;
	_ =	sdelay $0x1  }
0xa2: {  	s23 =	simm.s32 $0x1B8B  }
0xa3: {  	_ =	swait.ge [sflag:s23], $0x1  }
0xa4: {  	[sflag:s23] =	ssyncset.done $0x0  }
0xa5: {  	s25 =	simm.s32 $0x1B8E;
	s24 =	sld [smem:$0x3FFE];
	[sflag:s23] =	ssyncadd.s32 $0xFFFFFFFF  }
0xa6: {  	s26 =	simm.s32 $execute0_lowered;
	[smem:$0x3FD2] =	sst s25  }
0xa7: {  	s6 =	sshll.u32 s26, $0x1;
	_ =	strace $0x80000046;
	[dreg:$0x1] =	wrdreg $0xFFFFFFFF  }
0xa8: {  	s28 =	simm.s32 $_size_execute0_lowered;
	s4 =	sadd.s32 s4, s6;
	[dreg:$0x0] =	wrdreg $0x0  }
0xa9: {  	s6 =	sshll.u32 s28, $0x1;
	[dreg:$0x2] =	wrdreg s4  }
0xaa: {  	[dreg:$0x3] =	wrdreg s6  }
0xab: {  	[dreg:$0x4] =	wrdreg $0xC0  }
0xac: {  	_ =	task [dreg:s8], $0x5FFFF  }
0xad: {  	[dreg:$0x1] =	wrdreg $0xFFFFFFFF  }
0xae: {  	[dreg:$0x0] =	wrdreg $0x60  }
0xaf: {  	[dreg:$0x2] =	wrdreg s2  }
0xb0: {  	[dreg:$0x3] =	wrdreg s24  }
0xb1: {  	[dreg:$0x4] =	wrdreg s18  }
0xb2: {  	[dreg:$0x5] =	wrdreg $0x28A00  }
0xb3: {  	[dreg:$0x6] =	wrdreg $0x161700  }
0xb4: {  	[dreg:$0x7] =	wrdreg $0x9  }
0xb5: {  	_ =	task.clear_ibuf [dreg:s8], $0x8FFFF;
	_ =	strace $0x90000046  }
0xb6: {  	s29 =	simm.s32 $0x9;
	_ =	strace $0x80000048  }
0xb7: {  	_ =	swait.ge [sflag:s29], $0x1  }
0xb8: {  	[sflag:s29] =	ssyncadd.s32 $0xFFFFFFFF  }
0xb9: {  	_ =	strace $0x90000048  }
0xba: {  	_ =	sfence  }
0xbb: {  	s30 =	sld [smem:$0x0];
	_ =	sdelay $0x2  }
0xbc: {  	s31 =	sshll.u32 s1, $0xD;
	s1 =	sshrl.u32 s1, $0x2  }
0xbd: {  	s3 =	sand.u32 $0x4000, s31;
	s1 =	sadd.s32 s1, s30  }
0xbe: {  	s0 =	sor.u32 s3, s0;
	s1 =	sshll.u32 s1, $0x11  }
0xbf: {  	s0 =	sor.u32 s1, s0  }
0xc0: {  	s0 =	sadd.s32 $0x8F2B, s0  }
0xc1: {  	[sflag:s0] =	ssyncadd.remote.s32 $0x1  }
0xc2: {  	_ =	sfence.sel $0xFFFF  }
0xc3: {  	[dreg:$0x0] =	wrdreg $0xFFFFFFFF;
	(pc) =	sbr.abs _section_cstart, $3  }
0xc4: {  	[dreg:$0x1] =	wrdreg $0xFFFFFFFF  }
0xc5: {  	_ =	task.clear_ibuf [dreg:s8], $0x2FFFF;
	_ =	strace $0x9FFFFFFF  }
0xc6: {  	(tm) =	ssettm $0x7FFFFFFF  }
0xc7: {  	_ =	shalt  }
tec
execute0_lowered:
.L_overlay_start_1:
0x0: {  	(tag) =	ssettag $0x1  }
0x1: {  	s0 =	rddreg [dreg:$0x0]  }
0x2: {  	s7 =	rddreg [dreg:$0x1]  }
0x3: {  	s8 =	rddreg [dreg:$0x2];
	s2 =	srdreg.scid  }
0x4: {  	s1 =	rddreg [dreg:$0x3];
	s14 =	stileid.u32  }
0x5: {  	s3 =	rddreg [dreg:$0x4];
	s4 =	simm.s32 $0x0;
	s17 =	simm.s32 $0x16120  }
0x6: {  	s18 =	simm.s32 $0x50;
	s19 =	simm.s32 $0xA0;
	s9 =	smul.u32 $0x2710, s14  }
0x7: {  	s20 =	simm.s32 $0x1;
	s6 =	sand.u32 $0x1, s2;
	s10 =	smul.u32 $0x13880, s14  }
0x8: {  	s21 =	simm.s32 $0x0;
	s2 =	rddreg [dreg:$0x5];
	s5 =	smul.u32 $0x27100, s6  }
0x9: {  	[smem:$0x7FF] =	sst s4;
	s31 =	sshll.u32 s14, $0x6;
	s28 =	smul.u32 $0x138800, s6  }
0xa: {  	p0 =	sne.s32 s14, $0x0;
	_ =	strace $0x80000047;
	s11 =	smul.u32 $0x4E2, s6  }
0xb: {  	s12 =	ssub.s32 $0x2, s6;
	s6 =	sadd.s32 $0x15C00, s7;
	s16 =	sshrl.u32 @!p0 s3, $0x3  }
0xc: {  	s15 =	sshrl.u32 s12, $0x1;
	s29 =	sshrl.u32 s10, $0x3;
	s30 =	sadd.s32 s10, s1  }
0xd: {  	s5 =	sadd.s32 s9, s5;
	s9 =	sadd.s32 s10, s28;
	s11 =	sadd.s32 s11, s7  }
0xe: {  	s12 =	ssub.s32 s12, s15;
	s14 =	sshrl.u32 s30, $0x3;
	s15 =	simm.s32 $0x2  }
0xf: {  	s5 =	sshrl.u32 s5, $0x3;
	s9 =	sshrl.u32 s9, $0x3;
	s10 =	sadd.s32 $0x16400, s11  }
0x10: {  	s11 =	smax.u32 s12, $0x1;
	s13 =	sadd.s32 s5, s7;
	s5 =	sadd.s32 $0x15E00, s7  }
0x11: {  	s9 =	sadd.s32 s9, s7;
	s7 =	sadd.s32 s8, s29;
	s8 =	sor.u32 $0x1C02, s31  }
0x12: {  	s9 =	sadd.s32 $0x16E00, s9;
	s12 =	sadd.s32 $0x2000, s13;
	s13 =	sadd.s32 $0xBE00, s13  }
.LBB2_1:
0x13: {  	[spmem:s14], [sflag:s8] =	dma.local [hbm:s7], $0x2710  }
0x14: {  	_ =	swait.ge [sflag:s15], $0x2710  }
0x15: {  	[sflag:s15] =	ssyncset.done $0x0  }
0x16: {  	s22 =	simm.s32 @!p0 $0x2;
	[sflag:s15] =	ssyncadd.s32 $0xFFFFD8F0  }
0x17: {  	[spmem:s16], [sflag:s8] =	dma.local @!p0 [hbm:s5], $0x4E2  }
0x18: {  	_ =	swait.ge @!p0 [sflag:s22], $0x4E2  }
0x19: {  	[sflag:s22] =	ssyncset.done @!p0 $0x0  }
0x1a: {  	[sflag:s22] =	ssyncadd.s32 @!p0 $0xFFFFFB1E  }
0x1b: {  	[tilespmem:s17], [sflag:$0x2] =	stream.linear.gather [hbm4b:s6+s4], $0x50, $0x38;
	[tilespmem:$0x163E8] =	vst v63  }
0x1c: {  	_ =	swait.ge [sflag:s15], $0x50  }
0x1d: {  	[sflag:s15] =	ssyncset.done $0x0  }
0x1e: {  	[sflag:s15] =	ssyncadd.s32 $0xFFFFFFB0  }
0x1f: {  	s30 =	sadd.s32 $0x0, s13;
	[bflag:$0x0] =	sbarrier.arrive $0xFFFF  }
0x20: {  	[tilespmem:s4], [sflag:$0x2] =	stream.linear.gather [hbm4b:s30+s4], $0x50, $0x38;
	[tilespmem:$0x163E8] =	vst v63  }
0x21: {  	_ =	swait.ge [sflag:s15], $0x50  }
0x22: {  	[sflag:s15] =	ssyncset.done $0x0  }
0x23: {  	s31 =	sadd.s32 $0x0, s12;
	[sflag:s15] =	ssyncadd.s32 $0xFFFFFFB0  }
0x24: {  	[tilespmem:s18], [sflag:$0x2] =	stream.linear.gather [hbm4b:s31+s4], $0x50, $0x38;
	[tilespmem:$0x163E8] =	vst v63  }
0x25: {  	_ =	swait.ge [sflag:s15], $0x50  }
0x26: {  	[sflag:s15] =	ssyncset.done $0x0  }
0x27: {  	[sflag:s15] =	ssyncadd.s32 $0xFFFFFFB0  }
0x28: {  	[tilespmem:s19], [sflag:$0x1] =	stream.indirect.gather [hbm4b:s0+s18], $0x80, s4, s18, $0xb8;
	[tilespmem:$0x163E8] =	vst v63  }
0x29: {  	_ =	swait.ge [sflag:s20], $0x2800  }
0x2a: {  	[sflag:s20] =	ssyncset.done $0x0  }
0x2b: {  	[sflag:s20] =	ssyncadd.s32 $0xFFFFD800  }
0x2c: {  	[spmem:s1] =	stream.indirect.scatter.add.f32 [tilespmem:s19], [sflag:$0x2], $0x80, s18, s18, $0xb8;
	[tilespmem:$0x163E8] =	vst v63  }
0x2d: {  	_ =	swait.ge [sflag:s15], $0x2800  }
0x2e: {  	[sflag:s15] =	ssyncset.done $0x0  }
0x2f: {  	[sflag:s15] =	ssyncadd.s32 $0xFFFFD800  }
0x30: {  	[spmem:s3] =	stream.indirect.scatter.add.f32 [tilespmem:s17], [sflag:$0x2], $0x1, s18, s18, $0xb8;
	[tilespmem:$0x163E8] =	vst v63  }
0x31: {  	_ =	swait.ge [sflag:s15], $0x50  }
0x32: {  	s23 =	simm.s32 $0x14;
	s22 =	simm.s32 $0xA;
	[sflag:s15] =	ssyncset.done $0x0  }
.LBB2_2:
0x33: {  	s24 =	sadd.s32 s22, s13  }
0x34: {  	[sflag:s15] =	ssyncadd.s32 $0xFFFFFFB0;
	s25 =	smov.u32 s23;
	s26 =	sadd.s32 $0xA, s23  }
0x35: {  	[tilespmem:s4], [sflag:$0x2] =	stream.linear.gather [hbm4b:s24+s4], $0x50, $0x38;
	[tilespmem:$0x163E8] =	vst v63  }
0x36: {  	p1 =	sne.s32 s23, $0x4D8;
	_ =	swait.ge [sflag:s15], $0x50  }
0x37: {  	[sflag:s15] =	ssyncset.done $0x0  }
0x38: {  	s23 =	sadd.s32 s22, s12;
	s22 =	smov.u32 s25;
	[sflag:s15] =	ssyncadd.s32 $0xFFFFFFB0  }
0x39: {  	[tilespmem:s18], [sflag:$0x2] =	stream.linear.gather [hbm4b:s23+s4], $0x50, $0x38;
	[tilespmem:$0x163E8] =	vst v63  }
0x3a: {  	_ =	swait.ge [sflag:s15], $0x50  }
0x3b: {  	[sflag:s15] =	ssyncset.done $0x0  }
0x3c: {  	[sflag:s15] =	ssyncadd.s32 $0xFFFFFFB0  }
0x3d: {  	[tilespmem:s19], [sflag:$0x1] =	stream.indirect.gather [hbm4b:s0+s18], $0x80, s4, s18, $0xb8;
	[tilespmem:$0x163E8] =	vst v63  }
0x3e: {  	_ =	swait.ge [sflag:s20], $0x2800  }
0x3f: {  	[sflag:s20] =	ssyncset.done $0x0  }
0x40: {  	[sflag:s20] =	ssyncadd.s32 $0xFFFFD800  }
0x41: {  	[spmem:s1] =	stream.indirect.scatter.add.f32 [tilespmem:s19], [sflag:$0x2], $0x80, s18, s18, $0xb8;
	[tilespmem:$0x163E8] =	vst v63  }
0x42: {  	_ =	swait.ge [sflag:s15], $0x2800  }
.Ltmp0:
0x43: {  	[sflag:s15] =	ssyncset.done $0x0;
	(pc) =	sbr.rel @p1 .LBB2_2-.Ltmp0, $4  }
0x44: {  	[sflag:s15] =	ssyncadd.s32 $0xFFFFD800  }
0x45: {  	[spmem:s3] =	stream.indirect.scatter.add.f32 [tilespmem:s17], [sflag:$0x2], $0x1, s18, s18, $0xb8;
	[tilespmem:$0x163E8] =	vst v63  }
0x46: {  	_ =	swait.ge [sflag:s15], $0x50  }
0x47: {  	s23 =	smov.u32 s26;
	[sflag:s15] =	ssyncset.done $0x0  }
0x48: {  	s23 =	sadd.s32 s22, s13;
	[sflag:s15] =	ssyncadd.s32 $0xFFFFFFB0  }
0x49: {  	[tilespmem:s4], [sflag:$0x2] =	stream.linear.gather [hbm4b:s23+s4], $0x50, $0x38;
	[tilespmem:$0x163E8] =	vst v63  }
0x4a: {  	_ =	swait.ge [sflag:s15], $0x50  }
0x4b: {  	[sflag:s15] =	ssyncset.done $0x0  }
0x4c: {  	s31 =	sadd.s32 s22, s12;
	[sflag:s15] =	ssyncadd.s32 $0xFFFFFFB0  }
0x4d: {  	[tilespmem:s18], [sflag:$0x2] =	stream.linear.gather [hbm4b:s31+s4], $0x50, $0x38;
	[tilespmem:$0x163E8] =	vst v63  }
0x4e: {  	_ =	swait.ge [sflag:s15], $0x50  }
0x4f: {  	[sflag:s15] =	ssyncset.done $0x0  }
0x50: {  	[sflag:s15] =	ssyncadd.s32 $0xFFFFFFB0  }
0x51: {  	[tilespmem:s19], [sflag:$0x1] =	stream.indirect.gather [hbm4b:s0+s18], $0x80, s4, s18, $0xb8;
	[tilespmem:$0x163E8] =	vst v63  }
0x52: {  	_ =	swait.ge [sflag:s20], $0x2800  }
0x53: {  	[sflag:s20] =	ssyncset.done $0x0  }
0x54: {  	[sflag:s20] =	ssyncadd.s32 $0xFFFFD800  }
0x55: {  	[spmem:s1] =	stream.indirect.scatter.add.f32 [tilespmem:s19], [sflag:$0x2], $0x80, s18, s18, $0xb8;
	[tilespmem:$0x163E8] =	vst v63  }
0x56: {  	_ =	swait.ge [sflag:s15], $0x2800  }
0x57: {  	[sflag:s15] =	ssyncset.done $0x0  }
0x58: {  	[sflag:s15] =	ssyncadd.s32 $0xFFFFD800  }
0x59: {  	[spmem:s3] =	stream.indirect.scatter.add.f32 [tilespmem:s17], [sflag:$0x2], $0x1, s18, s18, $0xb8;
	[tilespmem:$0x163E8] =	vst v63  }
0x5a: {  	_ =	swait.ge [sflag:s15], $0x50  }
0x5b: {  	[sflag:s15] =	ssyncset.done $0x0  }
0x5c: {  	[sflag:s15] =	ssyncadd.s32 $0xFFFFFFB0  }
0x5d: {  	[bflag:$0x0] =	sbarrier.arrive $0xFFFF  }
0x5e: {  	[hbm:s9], [sflag:s8] =	dma.local [spmem:s14], $0x2710  }
0x5f: {  	s21 =	sadd.s32 $0x1, s21;
	_ =	swait.ge [sflag:s15], $0x2710  }
0x60: {  	p1 =	sne.s32 s21, s11;
	[sflag:s15] =	ssyncset.done $0x0  }
.Ltmp1:
0x61: {  	s22 =	simm.s32 @!p0 $0x2;
	[sflag:s15] =	ssyncadd.s32 $0xFFFFD8F0;
	(pc) =	sbr.rel @p1 .LBB2_1-.Ltmp1, $4  }
0x62: {  	[hbm:s10], [sflag:s8] =	dma.local @!p0 [spmem:s16], $0x4E2  }
0x63: {  	_ =	swait.ge @!p0 [sflag:s22], $0x4E2  }
0x64: {  	[sflag:s22] =	ssyncset.done @!p0 $0x0  }
0x65: {  	[sflag:s22] =	ssyncadd.s32 @!p0 $0xFFFFFB1E  }
0x66: {  	_ =	sfence.sel $0x180000  }
0x67: {  	[bflag:$0x0] =	sbarrier.arrive $0xFFFF  }
0x68: {  	_ =	strace $0x90000047  }
0x69: {  	s0 =	sadd.s32 @!p0 $0x100000, s2;
	[bflag:$0x2] =	sbarrier.arrive $0xFFFF  }
0x6a: {  	[sflag:s0] =	ssyncadd.tile.s32 @!p0 $0x1;
	_ =	shalt  }
.Lfunc_end2:
_tile_overlayer_lowered:
.L_overlay_start_2:
0x6b: {  	(tag) =	ssettag $0x2  }
0x6c: {  	s0 =	rddreg [dreg:$0x0];
	s2 =	stileid.u32  }
0x6d: {  	s1 =	rddreg [dreg:$0x1];
	p0 =	sne.s32 s2, $0x0  }
0x6e: {  	s3 =	rddreg [dreg:$0x2];
	[bflag:$0x3] =	sbarrier.arrive $0xFFFF;
	s2 =	simm.s32 @!p0 $0x1C02  }
0x6f: {  	[timem:s3], [sflag:s2] =	dma.local @!p0 [hbm:s0], s1  }
0x70: {  	s0 =	simm.s32 @!p0 $0x2  }
0x71: {  	_ =	swait.ge @!p0 [sflag:s0], s1  }
0x72: {  	s1 =	ssub.s32 @!p0 $0x0, s1;
	[sflag:s0] =	ssyncset.done @!p0 $0x0  }
0x73: {  	[sflag:s0] =	ssyncadd.s32 @!p0 s1  }
0x74: {  	[bflag:$0x3] =	sbarrier.arrive $0xFFFF  }
0x75: {  	_ =	shalt  }

// kernel: kernel.9.cloned.1.call-start
scs
__scs_entry_jumppad:
0x0: {  	(pc) =	sbr.rel $0x88, $3  }
0x1: {  	(tag) =	ssettag $0x0;
	lr =	simm.s32 $0x1  }
0x2: {  	[smem:$0x3F99] =	sst lr;
	_ =	strace $0xD0000000  }
0x3: {  	_ = 	snop  }
0x4: {  	_ = 	snop  }
0x5: {  	_ = 	snop  }
0x6: {  	_ = 	snop  }
0x7: {  	_ = 	snop  }
__scs_overlays_trampoline_lowered:
0x8: {  	[smem:$0x3FA8] =	sst s0  }
0x9: {  	[smem:$0x3FA9] =	sst s1  }
0xa: {  	[smem:$0x3FAA] =	sst s2  }
0xb: {  	[smem:$0x3FAB] =	sst s3  }
0xc: {  	[smem:$0x3FAC] =	sst s4  }
0xd: {  	[smem:$0x3FAD] =	sst s5  }
0xe: {  	[smem:$0x3FAE] =	sst s6  }
0xf: {  	[smem:$0x3FAF] =	sst s7  }
0x10: {  	[smem:$0x3FB0] =	sst s8  }
0x11: {  	[smem:$0x3FB1] =	sst s9;
	s0 =	simm.s32 @!p0 $0x0  }
0x12: {  	s1 =	sld [smem:$0x3F97];
	s0 =	simm.s32 @p0 $0x1  }
0x13: {  	[smem:$0x3FB2] =	sst s0;
	s0 =	simm.s32 @!p1 $0x0  }
0x14: {  	s2 =	sld [smem:$0x3F96];
	s0 =	simm.s32 @p1 $0x1  }
0x15: {  	[smem:$0x3FB3] =	sst s0;
	s0 =	simm.s32 @!p2 $0x0  }
0x16: {  	s3 =	sld [smem:$0x3FDB];
	s0 =	simm.s32 @p2 $0x1  }
0x17: {  	s4 =	simm.s32 $0x1BF5;
	[smem:$0x3FB5] =	sst s0  }
0x18: {  	s0 =	sld [smem:$0x3F98];
	_ =	swait.ge [sflag:s4], $0x0  }
0x19: {  	s7 =	sld [smem:$0x3F99]  }
0x1a: {  	s8 =	sadd.s32 $0xFFFFE003, lr  }
0x1b: {  	s9 =	sadd.s32 $0xFFFFFEF7, lr;
	s5 =	simm.s32 $0xFFFFFFFF;
	p2 =	slt.u32 s8, $0xFFFFF086  }
0x1c: {  	p1 =	slt.u32 s9, $0xF7A;
	s5 =	simm.s32 @!p2 $0x0  }
0x1d: {  	s5 =	simm.s32 @p1 $0x1;
	p0 =	seq.s32 s7, s2  }
0x1e: {  	s7 =	smul.u32 @!p0 $0xF7A, s2;
	p2 =	seq.s32 @!p0 s5, $0x0  }
0x1f: {  	s9 =	smul.u32 $0xF7A, s1;
	s8 =	simm.s32 @!p0 $0x1BF5;
	p2 =	por !p2, p0  }
0x20: {  	[sflag:s8] =	ssyncset.s32 @!p0 $0xFFFFF086;
	s6 =	sadd.s32 @!p0 s3, s7;
	s7 =	simm.s32 @!p0 $0x108  }
0x21: {  	s3 =	sadd.s32 s3, s9;
	s6 =	sadd.s32 @!p0 $0x88, s6;
	s7 =	simm.s32 @p2 $0x1082  }
0x22: {  	[simem:s7], [sflag:s8] =	dma.local @!p0 [hbm:s6], $0xF7A  }
0x23: {  	s9 =	sor.u32 $0xD0000000, s2;
	s6 =	simm.s32 $0x108;
	_ =	swait.ge @!p0 [sflag:s8], $0x0  }
0x24: {  	s3 =	sadd.s32 $0x88, s3;
	s6 =	simm.s32 @!p1 $0x1082;
	[sflag:s4] =	ssyncset.s32 $0xFFFFF086  }
0x25: {  	[simem:s6], [sflag:s4] =	dma.local [hbm:s3], $0xF7A  }
0x26: {  	[smem:$0x3F99] =	sst s1;
	(tag) =	ssettag s2;
	_ =	strace s9  }
0x27: {  	s1 =	sld [smem:$0x3FA9]  }
0x28: {  	s2 =	sld [smem:$0x3FAA]  }
0x29: {  	s4 =	sld [smem:$0x3FAC]  }
0x2a: {  	p0 =	seq.s32 s5, $0x0;
	s5 =	sld [smem:$0x3FAD]  }
0x2b: {  	s6 =	sld [smem:$0x3FAE]  }
0x2c: {  	s7 =	sld [smem:$0x3FAF]  }
0x2d: {  	s3 =	simm.s32 $0x108;
	s8 =	sld [smem:$0x3FB0]  }
0x2e: {  	s3 =	simm.s32 @!p0 $0x1082;
	s9 =	sld [smem:$0x3FB1]  }
0x2f: {  	lr =	sadd.s32 s0, s3;
	s0 =	sld [smem:$0x3FA8]  }
0x30: {  	s3 =	sld [smem:$0x3FAB]  }
0x31: {  	[smem:$0x3FB4] =	sst s10  }
0x32: {  	s10 =	sld [smem:$0x3FB2];
	_ =	sdelay $0x3  }
0x33: {  	p0 =	seq.s32 s10, $0x1;
	s10 =	sld [smem:$0x3FB4];
	_ =	sdelay $0x3  }
0x34: {  	[smem:$0x3FB4] =	sst s10  }
0x35: {  	s10 =	sld [smem:$0x3FB3];
	_ =	sdelay $0x3  }
0x36: {  	p1 =	seq.s32 s10, $0x1;
	s10 =	sld [smem:$0x3FB4];
	_ =	sdelay $0x3  }
0x37: {  	[smem:$0x3FB4] =	sst s10  }
0x38: {  	s10 =	sld [smem:$0x3FB5]  }
0x39: {  	_ = 	snop;
	(pc) =	sbr.ind lr, $3  }
0x3a: {  	_ = 	snop  }
0x3b: {  	_ = 	snop  }
0x3c: {  	p2 =	seq.s32 s10, $0x1;
	s10 =	sld [smem:$0x3FB4]  }
0x3d: {  	_ =	shalt  }
0x3e: {  	_ =	shalt  }
0x3f: {  	_ =	shalt  }
0x40: {  	_ =	shalt  }
0x41: {  	_ =	shalt  }
0x42: {  	_ =	shalt  }
0x43: {  	_ =	shalt  }
0x44: {  	_ =	shalt  }
0x45: {  	_ =	shalt  }
0x46: {  	_ =	shalt  }
0x47: {  	_ =	shalt  }
0x48: {  	_ =	shalt  }
0x49: {  	_ =	shalt  }
0x4a: {  	_ =	shalt  }
0x4b: {  	_ =	shalt  }
0x4c: {  	_ =	shalt  }
0x4d: {  	_ =	shalt  }
0x4e: {  	_ =	shalt  }
0x4f: {  	_ =	shalt  }
0x50: {  	_ =	shalt  }
0x51: {  	_ =	shalt  }
0x52: {  	_ =	shalt  }
0x53: {  	_ =	shalt  }
0x54: {  	_ =	shalt  }
0x55: {  	_ =	shalt  }
0x56: {  	_ =	shalt  }
0x57: {  	_ =	shalt  }
0x58: {  	_ =	shalt  }
0x59: {  	_ =	shalt  }
0x5a: {  	_ =	shalt  }
0x5b: {  	_ =	shalt  }
0x5c: {  	_ =	shalt  }
0x5d: {  	_ =	shalt  }
0x5e: {  	_ =	shalt  }
0x5f: {  	_ =	shalt  }
0x60: {  	_ =	shalt  }
0x61: {  	_ =	shalt  }
0x62: {  	_ =	shalt  }
0x63: {  	_ =	shalt  }
0x64: {  	_ =	shalt  }
0x65: {  	_ =	shalt  }
0x66: {  	_ =	shalt  }
0x67: {  	_ =	shalt  }
0x68: {  	_ =	shalt  }
0x69: {  	_ =	shalt  }
0x6a: {  	_ =	shalt  }
0x6b: {  	_ =	shalt  }
0x6c: {  	_ =	shalt  }
0x6d: {  	_ =	shalt  }
0x6e: {  	_ =	shalt  }
0x6f: {  	_ =	shalt  }
0x70: {  	_ =	shalt  }
0x71: {  	_ =	shalt  }
0x72: {  	_ =	shalt  }
0x73: {  	_ =	shalt  }
0x74: {  	_ =	shalt  }
0x75: {  	_ =	shalt  }
0x76: {  	_ =	shalt  }
0x77: {  	_ =	shalt  }
0x78: {  	_ =	shalt  }
0x79: {  	_ =	shalt  }
0x7a: {  	_ =	shalt  }
0x7b: {  	_ =	shalt  }
0x7c: {  	_ =	shalt  }
0x7d: {  	_ =	shalt  }
0x7e: {  	_ =	shalt  }
0x7f: {  	_ =	shalt  }
0x80: {  	_ =	shalt  }
0x81: {  	_ =	shalt  }
0x82: {  	_ =	shalt  }
0x83: {  	_ =	shalt  }
0x84: {  	_ =	shalt  }
0x85: {  	_ =	shalt  }
0x86: {  	_ =	shalt  }
0x87: {  	_ =	shalt  }
.Lfunc_end0:
.L_simem_size_0:
called_computation.1_lowered:
.L_overlay_start_0:
0x88: {  	s2 =	sld [smem:$0x3FD9]  }
0x89: {  	s3 =	sld [smem:$0x3FFE];
	_ =	sdelay $0x1  }
0x8a: {  	s1 =	srdreg.scid  }
0x8b: {  	s0 =	sand.u32 $0x1, s1  }
0x8c: {  	s17 =	sshll.u32 s0, $0xA;
	s2 =	sadd.s32 s3, s2  }
0x8d: {  	s2 =	sadd.s32 s2, s17  }
0x8e: {  	[smem:$0x3FC0] =	sst s2  }
0x8f: {  	_ = 	snop  }
0x90: {  	s2 =	sld [smem:$0x3FD0];
	(tm) =	ssettm $0x1  }
0x91: {  	s18 =	sld [smem:$0x3FFB];
	_ =	sdelay $0x3  }
0x92: {  	_ =	strace s18  }
0x93: {  	s3 =	sld [smem:$0x3FFC];
	_ =	sdelay $0x3  }
0x94: {  	_ =	strace s3  }
0x95: {  	s3 =	sld [smem:$0x3FFD];
	_ =	sdelay $0x3  }
0x96: {  	_ =	strace s3  }
0x97: {  	_ =	strace $0x8FFFFFFF  }
0x98: {  	s19 =	sld [smem:$0x3FDB];
	_ =	sdelay $0x1  }
0x99: {  	s4 =	simm.s32 $_scs_section_size  }
0x9a: {  	s5 =	simm.s32 $_size__tile_overlayer_lowered;
	s6 =	simm.s32 $_tile_overlayer_lowered  }
0x9b: {  	s22 =	simm.s32 $0x1BFF;
	s21 =	sshll.u32 s6, $0x1;
	s3 =	sadd.s32 s4, s19  }
0x9c: {  	s7 =	simm.s32 $0x0;
	s20 =	sshll.u32 s5, $0x1;
	s5 =	sadd.s32 s21, s3  }
0x9d: {  	[timem:s7], [sflag:s22] =	dma.local [hbm:s5], s20  }
0x9e: {  	_ =	swait.ge [sflag:s22], s20  }
0x9f: {  	s4 =	ssub.s32 $0x0, s20;
	[sflag:s22] =	ssyncset.done $0x0  }
0xa0: {  	[sflag:s22] =	ssyncadd.s32 s4;
	_ =	sdelay $0x1  }
0xa1: {  	s23 =	simm.s32 $0x1B8B  }
0xa2: {  	_ =	swait.ge [sflag:s23], $0x1  }
0xa3: {  	[sflag:s23] =	ssyncset.done $0x0  }
0xa4: {  	s25 =	simm.s32 $0x1B8E;
	s24 =	sld [smem:$0x3FFE];
	[sflag:s23] =	ssyncadd.s32 $0xFFFFFFFF  }
0xa5: {  	s26 =	simm.s32 $execute0_lowered;
	[smem:$0x3FD2] =	sst s25  }
0xa6: {  	s5 =	sshll.u32 s26, $0x1;
	_ =	strace $0x80000049;
	[dreg:$0x1] =	wrdreg $0xFFFFFFFF  }
0xa7: {  	s28 =	simm.s32 $_size_execute0_lowered;
	s3 =	sadd.s32 s3, s5;
	[dreg:$0x0] =	wrdreg $0x0  }
0xa8: {  	s5 =	sshll.u32 s28, $0x1;
	[dreg:$0x2] =	wrdreg s3  }
0xa9: {  	[dreg:$0x3] =	wrdreg s5  }
0xaa: {  	[dreg:$0x4] =	wrdreg $0xC0  }
0xab: {  	_ =	task [dreg:s7], $0x5FFFF  }
0xac: {  	[dreg:$0x1] =	wrdreg $0xFFFFFFFF  }
0xad: {  	[dreg:$0x0] =	wrdreg $0x60  }
0xae: {  	[dreg:$0x2] =	wrdreg s24  }
0xaf: {  	[dreg:$0x3] =	wrdreg s2  }
0xb0: {  	[dreg:$0x4] =	wrdreg $0x28A00  }
0xb1: {  	[dreg:$0x5] =	wrdreg $0x9  }
0xb2: {  	_ =	task.clear_ibuf [dreg:s7], $0x6FFFF;
	_ =	strace $0x90000049  }
0xb3: {  	s29 =	simm.s32 $0x9;
	_ =	strace $0x8000004B  }
0xb4: {  	_ =	swait.ge [sflag:s29], $0x1  }
0xb5: {  	[sflag:s29] =	ssyncadd.s32 $0xFFFFFFFF  }
0xb6: {  	_ =	strace $0x9000004B  }
0xb7: {  	_ =	sfence  }
0xb8: {  	s30 =	sld [smem:$0x0];
	_ =	sdelay $0x2  }
0xb9: {  	s31 =	sshll.u32 s1, $0xD;
	s1 =	sshrl.u32 s1, $0x2  }
0xba: {  	s3 =	sand.u32 $0x4000, s31;
	s1 =	sadd.s32 s1, s30  }
0xbb: {  	s0 =	sor.u32 s3, s0;
	s1 =	sshll.u32 s1, $0x11  }
0xbc: {  	s0 =	sor.u32 s1, s0  }
0xbd: {  	s0 =	sadd.s32 $0x8F2B, s0  }
0xbe: {  	[sflag:s0] =	ssyncadd.remote.s32 $0x1  }
0xbf: {  	_ =	sfence.sel $0xFFFF  }
0xc0: {  	[dreg:$0x0] =	wrdreg $0xFFFFFFFF;
	(pc) =	sbr.abs _section_cstart, $3  }
0xc1: {  	[dreg:$0x1] =	wrdreg $0xFFFFFFFF  }
0xc2: {  	_ =	task.clear_ibuf [dreg:s7], $0x2FFFF;
	_ =	strace $0x9FFFFFFF  }
0xc3: {  	(tm) =	ssettm $0x7FFFFFFF  }
tec
execute0_lowered:
.L_overlay_start_1:
0x0: {  	(tag) =	ssettag $0x1  }
0x1: {  	s5 =	rddreg [dreg:$0x0]  }
0x2: {  	s6 =	rddreg [dreg:$0x1]  }
0x3: {  	s0 =	srdreg.scid;
	s2 =	rddreg [dreg:$0x2]  }
0x4: {  	s1 =	rddreg [dreg:$0x3];
	s7 =	sand.u32 $0x1, s0  }
0x5: {  	s3 =	simm.s32 $0x0;
	s0 =	stileid.u32;
	s8 =	smul.u32 $0x27100, s7  }
0x6: {  	s13 =	simm.s32 $0x50;
	s14 =	simm.s32 $0xA0;
	s9 =	smul.u32 $0x2710, s0  }
0x7: {  	s15 =	simm.s32 $0x1;
	s16 =	simm.s32 $0x0;
	s10 =	smul.u32 $0x13880, s0  }
0x8: {  	[smem:$0x7FF] =	sst s3;
	s4 =	sadd.s32 $0x3D600, s5;
	s11 =	smul.u32 $0x138800, s7  }
0x9: {  	_ =	strace $0x8000004A;
	s7 =	ssub.s32 $0x2, s7;
	s31 =	sshll.u32 s0, $0x6  }
0xa: {  	s25 =	sshrl.u32 s7, $0x1;
	s8 =	sadd.s32 s9, s8;
	s24 =	sadd.s32 s10, s11  }
0xb: {  	s28 =	ssub.s32 s7, s25;
	s29 =	sadd.s32 s10, s2;
	s30 =	sshrl.u32 s10, $0x3  }
0xc: {  	s8 =	sshrl.u32 s8, $0x3;
	s9 =	sshrl.u32 s24, $0x3;
	s11 =	sshrl.u32 s29, $0x3  }
0xd: {  	s12 =	sadd.s32 s8, s5;
	s26 =	sadd.s32 s9, s5;
	s5 =	sadd.s32 s6, s30  }
0xe: {  	s6 =	sor.u32 $0x1C02, s31;
	s8 =	smax.u32 s28, $0x1;
	s7 =	sadd.s32 $0x64800, s26  }
0xf: {  	s9 =	sadd.s32 $0x2000, s12;
	s10 =	sadd.s32 $0xBE00, s12;
	s12 =	simm.s32 $0x2  }
.LBB2_1:
0x10: {  	[spmem:s11], [sflag:s6] =	dma.local [hbm:s5], $0x2710  }
0x11: {  	_ =	swait.ge [sflag:s12], $0x2710  }
0x12: {  	[sflag:s12] =	ssyncset.done $0x0  }
0x13: {  	[sflag:s12] =	ssyncadd.s32 $0xFFFFD8F0  }
0x14: {  	s17 =	sadd.s32 $0x0, s10;
	[bflag:$0x0] =	sbarrier.arrive $0xFFFF  }
0x15: {  	[tilespmem:s3], [sflag:$0x2] =	stream.linear.gather [hbm4b:s17+s3], $0x50, $0x38;
	[tilespmem:$0x16120] =	vst v63  }
0x16: {  	_ =	swait.ge [sflag:s12], $0x50  }
0x17: {  	[sflag:s12] =	ssyncset.done $0x0  }
0x18: {  	s31 =	sadd.s32 $0x0, s9;
	[sflag:s12] =	ssyncadd.s32 $0xFFFFFFB0  }
0x19: {  	[tilespmem:s13], [sflag:$0x2] =	stream.linear.gather [hbm4b:s31+s3], $0x50, $0x38;
	[tilespmem:$0x16120] =	vst v63  }
0x1a: {  	_ =	swait.ge [sflag:s12], $0x50  }
0x1b: {  	[sflag:s12] =	ssyncset.done $0x0  }
0x1c: {  	[sflag:s12] =	ssyncadd.s32 $0xFFFFFFB0  }
0x1d: {  	[tilespmem:s14], [sflag:$0x1] =	stream.indirect.gather [hbm4b:s4+s13], $0x80, s3, s13, $0xb8;
	[tilespmem:$0x16120] =	vst v63  }
0x1e: {  	_ =	swait.ge [sflag:s15], $0x2800  }
0x1f: {  	[sflag:s15] =	ssyncset.done $0x0  }
0x20: {  	[sflag:s15] =	ssyncadd.s32 $0xFFFFD800  }
0x21: {  	[spmem:s2] =	stream.indirect.scatter.add.f32 [tilespmem:s14], [sflag:$0x2], $0x80, s13, s13, $0xb8;
	[tilespmem:$0x16120] =	vst v63  }
0x22: {  	_ =	swait.ge [sflag:s12], $0x2800  }
0x23: {  	s18 =	simm.s32 $0x14;
	s17 =	simm.s32 $0xA;
	[sflag:s12] =	ssyncset.done $0x0  }
.LBB2_2:
0x24: {  	s19 =	sadd.s32 s17, s10  }
0x25: {  	[sflag:s12] =	ssyncadd.s32 $0xFFFFD800;
	s20 =	smov.u32 s18;
	s21 =	sadd.s32 $0xA, s18  }
0x26: {  	[tilespmem:s3], [sflag:$0x2] =	stream.linear.gather [hbm4b:s19+s3], $0x50, $0x38;
	[tilespmem:$0x16120] =	vst v63  }
0x27: {  	p0 =	sne.s32 s18, $0x4D8;
	_ =	swait.ge [sflag:s12], $0x50  }
0x28: {  	[sflag:s12] =	ssyncset.done $0x0  }
0x29: {  	s18 =	sadd.s32 s17, s9;
	s17 =	smov.u32 s20;
	[sflag:s12] =	ssyncadd.s32 $0xFFFFFFB0  }
0x2a: {  	[tilespmem:s13], [sflag:$0x2] =	stream.linear.gather [hbm4b:s18+s3], $0x50, $0x38;
	[tilespmem:$0x16120] =	vst v63  }
0x2b: {  	_ =	swait.ge [sflag:s12], $0x50  }
0x2c: {  	[sflag:s12] =	ssyncset.done $0x0  }
0x2d: {  	[sflag:s12] =	ssyncadd.s32 $0xFFFFFFB0  }
0x2e: {  	[tilespmem:s14], [sflag:$0x1] =	stream.indirect.gather [hbm4b:s4+s13], $0x80, s3, s13, $0xb8;
	[tilespmem:$0x16120] =	vst v63  }
0x2f: {  	_ =	swait.ge [sflag:s15], $0x2800  }
.Ltmp0:
0x30: {  	[sflag:s15] =	ssyncset.done $0x0;
	(pc) =	sbr.rel @p0 .LBB2_2-.Ltmp0, $4  }
0x31: {  	[sflag:s15] =	ssyncadd.s32 $0xFFFFD800  }
0x32: {  	[spmem:s2] =	stream.indirect.scatter.add.f32 [tilespmem:s14], [sflag:$0x2], $0x80, s13, s13, $0xb8;
	[tilespmem:$0x16120] =	vst v63  }
0x33: {  	_ =	swait.ge [sflag:s12], $0x2800  }
0x34: {  	s18 =	smov.u32 s21;
	[sflag:s12] =	ssyncset.done $0x0  }
0x35: {  	s18 =	sadd.s32 s17, s10;
	[sflag:s12] =	ssyncadd.s32 $0xFFFFD800  }
0x36: {  	[tilespmem:s3], [sflag:$0x2] =	stream.linear.gather [hbm4b:s18+s3], $0x50, $0x38;
	[tilespmem:$0x16120] =	vst v63  }
0x37: {  	_ =	swait.ge [sflag:s12], $0x50  }
0x38: {  	[sflag:s12] =	ssyncset.done $0x0  }
0x39: {  	s31 =	sadd.s32 s17, s9;
	[sflag:s12] =	ssyncadd.s32 $0xFFFFFFB0  }
0x3a: {  	[tilespmem:s13], [sflag:$0x2] =	stream.linear.gather [hbm4b:s31+s3], $0x50, $0x38;
	[tilespmem:$0x16120] =	vst v63  }
0x3b: {  	_ =	swait.ge [sflag:s12], $0x50  }
0x3c: {  	[sflag:s12] =	ssyncset.done $0x0  }
0x3d: {  	[sflag:s12] =	ssyncadd.s32 $0xFFFFFFB0  }
0x3e: {  	[tilespmem:s14], [sflag:$0x1] =	stream.indirect.gather [hbm4b:s4+s13], $0x80, s3, s13, $0xb8;
	[tilespmem:$0x16120] =	vst v63  }
0x3f: {  	_ =	swait.ge [sflag:s15], $0x2800  }
0x40: {  	[sflag:s15] =	ssyncset.done $0x0  }
0x41: {  	[sflag:s15] =	ssyncadd.s32 $0xFFFFD800  }
0x42: {  	[spmem:s2] =	stream.indirect.scatter.add.f32 [tilespmem:s14], [sflag:$0x2], $0x80, s13, s13, $0xb8;
	[tilespmem:$0x16120] =	vst v63  }
0x43: {  	_ =	swait.ge [sflag:s12], $0x2800  }
0x44: {  	s16 =	sadd.s32 $0x1, s16;
	[sflag:s12] =	ssyncset.done $0x0  }
0x45: {  	p0 =	sne.s32 s16, s8;
	[sflag:s12] =	ssyncadd.s32 $0xFFFFD800  }
.Ltmp1:
0x46: {  	[bflag:$0x0] =	sbarrier.arrive $0xFFFF;
	(pc) =	sbr.rel @p0 .LBB2_1-.Ltmp1, $4  }
0x47: {  	[hbm:s7], [sflag:s6] =	dma.local [spmem:s11], $0x2710  }
0x48: {  	_ =	swait.ge [sflag:s12], $0x2710  }
0x49: {  	[sflag:s12] =	ssyncset.done $0x0  }
0x4a: {  	[sflag:s12] =	ssyncadd.s32 $0xFFFFD8F0  }
0x4b: {  	_ =	sfence.sel $0x180000  }
0x4c: {  	[bflag:$0x0] =	sbarrier.arrive $0xFFFF  }
0x4d: {  	p0 =	sne.s32 s0, $0x0;
	_ =	strace $0x9000004A  }
0x4e: {  	s0 =	sadd.s32 @!p0 $0x100000, s1;
	[bflag:$0x2] =	sbarrier.arrive $0xFFFF  }
0x4f: {  	[sflag:s0] =	ssyncadd.tile.s32 @!p0 $0x1;
	_ =	shalt  }
.Lfunc_end2:
_tile_overlayer_lowered:
.L_overlay_start_2:
0x50: {  	(tag) =	ssettag $0x2  }
0x51: {  	s0 =	rddreg [dreg:$0x0];
	s2 =	stileid.u32  }
0x52: {  	s1 =	rddreg [dreg:$0x1];
	p0 =	sne.s32 s2, $0x0  }
0x53: {  	s3 =	rddreg [dreg:$0x2];
	[bflag:$0x3] =	sbarrier.arrive $0xFFFF;
	s2 =	simm.s32 @!p0 $0x1C02  }
0x54: {  	[timem:s3], [sflag:s2] =	dma.local @!p0 [hbm:s0], s1  }
0x55: {  	s0 =	simm.s32 @!p0 $0x2  }
0x56: {  	_ =	swait.ge @!p0 [sflag:s0], s1  }
0x57: {  	s1 =	ssub.s32 @!p0 $0x0, s1;
	[sflag:s0] =	ssyncset.done @!p0 $0x0  }
0x58: {  	[sflag:s0] =	ssyncadd.s32 @!p0 s1  }
0x59: {  	[bflag:$0x3] =	sbarrier.arrive $0xFFFF  }
0x5a: {  	_ =	shalt  }

</sc_bundles>
